<compile_context>
chip_gen: v7x
topology: tpu7x:2x2x1
jax: 0.10.2.dev20260603
libtpu: 0.0.44.dev20260713+nightly
codegen_flags: <defaults>
</compile_context>

<pallas_src>
import functools

import jax
import jax.numpy as jnp
from jax import lax
from jax.experimental import pallas as pl
from jax.experimental.pallas import tpu as pltpu
from jax.experimental.pallas import tpu_sc as plsc

_TILE = 256
_K = 10
_KP = 16


def _norm_body(x_ref, o_ref):
    x = x_ref[0, 0]
    o_ref[0, 0] = x / jnp.sqrt(jnp.sum(x * x, axis=1, keepdims=True))


def _tc_body(q_ref, k_ref, ow_ref, oi_ref):
    qn = q_ref[0]
    kn = k_ref[0, 0]

    p = jax.lax.dot_general(
        qn, kn, (((1,), (1,)), ((), ())),
        preferred_element_type=jnp.float32,
    )

    n = p.shape[1]
    iota_f = jnp.broadcast_to(
        jax.lax.broadcasted_iota(jnp.int32, (1, p.shape[1]), 1)
        .astype(jnp.float32), p.shape)
    big = float(n)
    v0 = jnp.max(p, axis=1)
    ws, idxs = [], []
    denom = jnp.zeros_like(v0)
    for _ in range(_K):
        vmax = jnp.max(p, axis=1)
        w = jnp.exp(vmax - v0)
        idx = jnp.min(jnp.where(p == vmax[:, None], iota_f, big), axis=1)
        sel = iota_f == idx[:, None]
        p = jnp.where(sel, -jnp.inf, p)
        ws.append(w)
        idxs.append(idx)
        denom = denom + w

    inv = 1.0 / denom
    w_mat = jnp.stack([w * inv for w in ws]
                      + [jnp.zeros_like(v0)] * (_KP - _K), axis=0)
    i_mat = jnp.stack(idxs + [jnp.zeros_like(v0)] * (_KP - _K),
                      axis=0).astype(jnp.int32)
    ow_ref[0, 0] = w_mat
    oi_ref[0, 0] = i_mat


def _topk_weights(source_feat, target_feat):
    b, n, f = source_feat.shape
    feats = jnp.stack([source_feat, target_feat], axis=1)
    keys = pl.pallas_call(
        _norm_body,
        grid=(b, 2),
        in_specs=[pl.BlockSpec((1, 1, n, f), lambda bi, s: (bi, s, 0, 0))],
        out_specs=pl.BlockSpec((1, 1, n, f), lambda bi, s: (bi, s, 0, 0)),
        out_shape=jax.ShapeDtypeStruct((b, 2, n, f), jnp.float32),
    )(feats)
    q = jnp.concatenate([keys[:, 1], keys[:, 0]], axis=1)

    nt = n // _TILE
    return pl.pallas_call(
        _tc_body,
        grid=(b, 2, nt),
        compiler_params=pltpu.CompilerParams(
            dimension_semantics=("parallel", "parallel", "parallel")),
        in_specs=[
            pl.BlockSpec((1, _TILE, f), lambda bi, s, i: (bi, s * nt + i, 0)),
            pl.BlockSpec((1, 1, n, f), lambda bi, s, i: (bi, s, 0, 0)),
        ],
        out_specs=[
            pl.BlockSpec((1, 1, _KP, _TILE), lambda bi, s, i: (bi, s, 0, i)),
            pl.BlockSpec((1, 1, _KP, _TILE), lambda bi, s, i: (bi, s, 0, i)),
        ],
        out_shape=[
            jax.ShapeDtypeStruct((b, 2, _KP, n), jnp.float32),
            jax.ShapeDtypeStruct((b, 2, _KP, n), jnp.int32),
        ],
    )(q, keys)


def _sc_recon(n_groups, n, r_total, rows_per_tec, w_hbm, i_hbm, pos_hbm,
              out_hbm, w_v, i_v, px_v, py_v, pz_v, ox_v, oy_v, oz_v):
    c = lax.axis_index("c")
    s = lax.axis_index("s")
    wid = s * 2 + c
    tecs_per_group = 32 // n_groups
    g = wid // tecs_per_group
    t = wid % tecs_per_group
    r0 = t * rows_per_tec

    pltpu.sync_copy(w_hbm.at[g, :, pl.ds(r0, rows_per_tec)], w_v)
    pltpu.sync_copy(i_hbm.at[g, :, pl.ds(r0, rows_per_tec)], i_v)
    pltpu.sync_copy(pos_hbm.at[pl.ds((g * 3 + 0) * n, n)], px_v)
    pltpu.sync_copy(pos_hbm.at[pl.ds((g * 3 + 1) * n, n)], py_v)
    pltpu.sync_copy(pos_hbm.at[pl.ds((g * 3 + 2) * n, n)], pz_v)

    def body(i, carry):
        base = i * 16
        accx = jnp.zeros((16,), jnp.float32)
        accy = jnp.zeros((16,), jnp.float32)
        accz = jnp.zeros((16,), jnp.float32)
        for kk in range(_K):
            wv = w_v[kk, pl.ds(base, 16)]
            iv = i_v[kk, pl.ds(base, 16)]
            accx = accx + wv * plsc.load_gather(px_v, [iv])
            accy = accy + wv * plsc.load_gather(py_v, [iv])
            accz = accz + wv * plsc.load_gather(pz_v, [iv])
        ox_v[pl.ds(base, 16)] = accx
        oy_v[pl.ds(base, 16)] = accy
        oz_v[pl.ds(base, 16)] = accz
        return carry

    lax.fori_loop(0, rows_per_tec // 16, body, 0)

    pltpu.sync_copy(ox_v, out_hbm.at[pl.ds((g * 3 + 0) * r_total + r0, rows_per_tec)])
    pltpu.sync_copy(oy_v, out_hbm.at[pl.ds((g * 3 + 1) * r_total + r0, rows_per_tec)])
    pltpu.sync_copy(oz_v, out_hbm.at[pl.ds((g * 3 + 2) * r_total + r0, rows_per_tec)])


def _recon(w, idx, pos_flat):
    g_, _, r_ = w.shape
    n = pos_flat.shape[0] // (g_ * 3)
    rows_per_tec = (g_ * r_) // 32
    mesh = plsc.VectorSubcoreMesh(core_axis_name="c", subcore_axis_name="s")
    fn = functools.partial(
        pl.kernel,
        mesh=mesh,
        compiler_params=pltpu.CompilerParams(needs_layout_passes=False),
        out_type=jax.ShapeDtypeStruct((g_ * 3 * r_,), jnp.float32),
        scratch_types=[
            pltpu.VMEM((_KP, rows_per_tec), jnp.float32),
            pltpu.VMEM((_KP, rows_per_tec), jnp.int32),
            pltpu.VMEM((n,), jnp.float32),
            pltpu.VMEM((n,), jnp.float32),
            pltpu.VMEM((n,), jnp.float32),
            pltpu.VMEM((rows_per_tec,), jnp.float32),
            pltpu.VMEM((rows_per_tec,), jnp.float32),
            pltpu.VMEM((rows_per_tec,), jnp.float32),
        ],
    )(functools.partial(_sc_recon, g_, n, r_, rows_per_tec))
    return fn(w, idx, pos_flat)


@jax.jit
def kernel(source, target, source_feat, target_feat):
    b, n, f = source_feat.shape
    w, idx = _topk_weights(source_feat, target_feat)
    w = w.reshape(2 * b, _KP, n)
    idx = idx.reshape(2 * b, _KP, n)
    pos = jnp.stack([source, target], axis=1)
    pos_flat = jnp.swapaxes(pos, 2, 3).reshape(2 * b * 3 * n)
    out = _recon(w, idx, pos_flat)
    out = out.reshape(2 * b, 3, n)
    return jnp.swapaxes(out, 1, 2).reshape(b, 2 * n, 3)

# --- scband reference (transcript-rebuilt; emitter-appended) ---
"""Pipeline reference for scband-model-15951508538244 (READ-ONLY COPY).

The authoritative reference and input builder live on the scoring server;
editing this copy changes nothing except your own understanding.
"""

import jax, jax.numpy as jnp
import numpy as np

B, N, F, K = 4, 4096, 64, 10


def setup_inputs(seed: int = 0) -> dict:
    key = jax.random.key(seed)
    k1, k2, k3, k4 = jax.random.split(key, 4)
    return {
        "source": jax.random.normal(k1, (B, N, 3), dtype=jnp.float32),
        "target": jax.random.normal(k2, (B, N, 3), dtype=jnp.float32),
        "source_feat": jax.random.normal(k3, (B, N, F), dtype=jnp.float32),
        "target_feat": jax.random.normal(k4, (B, N, F), dtype=jnp.float32),
    }


def _gather_neighbors(pos, idx):
    # pos: [B, Np, D]; idx: [B, M, k] with indices into Np axis -> [B, M, k, D]
    Bb, M, k = idx.shape
    flat = jnp.take_along_axis(pos, idx.reshape(Bb, M * k, 1), axis=1)
    return flat.reshape(Bb, M, k, pos.shape[-1])


def reference(source, target, source_feat, target_feat):
    # measure_similarity with similarity_init == 'cosine'
    a_norm = source_feat / jnp.linalg.norm(source_feat, axis=-1, keepdims=True)
    b_norm = target_feat / jnp.linalg.norm(target_feat, axis=-1, keepdims=True)
    P = jnp.einsum('bnf,bmf->bnm', a_norm, b_norm)  # [B, Ns, Nt]

    # get_s_t_topk: source side topk over dim 2, target side topk over dim 1 (then transpose)
    s_nn_sim, s_nn_idx = jax.lax.top_k(P, K)                      # [B, Ns, K] (neighbors in target)
    t_nn_sim, t_nn_idx = jax.lax.top_k(jnp.swapaxes(P, 1, 2), K)  # [B, Nt, K] (neighbors in source)

    # normalize_P with 'softmax' over neighbor dim (dim=2)
    source_cross_nn_weight = jax.nn.softmax(s_nn_sim, axis=2)
    target_cross_nn_weight = jax.nn.softmax(t_nn_sim, axis=2)

    # reconstruction: gather neighbor positions, weight, sum over k
    # source_cross_recon = reconstruction(source, target_cross_nn_idx, target_cross_nn_weight)
    src_nn_pos = _gather_neighbors(source, t_nn_idx)              # [B, Nt, K, 3]
    source_cross_recon = jnp.sum(src_nn_pos * target_cross_nn_weight[..., None], axis=2)
    # target_cross_recon = reconstruction(target, source_cross_nn_idx, source_cross_nn_weight)
    tgt_nn_pos = _gather_neighbors(target, s_nn_idx)              # [B, Ns, K, 3]
    target_cross_recon = jnp.sum(tgt_nn_pos * source_cross_nn_weight[..., None], axis=2)

    return jnp.concatenate([source_cross_recon, target_cross_recon], axis=1)  # [B, 2N, 3]

if __name__ == "__main__":
    import jax
    _d = setup_inputs()
    print(jax.jit(kernel)(*tuple(_d.values())))

</pallas_src>

<mosaic_0001>
#map = affine_map<(d0, d1) -> (0, 0, 0)>
#map1 = affine_map<(d0, d1) -> (0)>
module attributes {stable_mosaic.version = 14 : i64} {
  func.func @_sc_recon(%arg0: i32, %arg1: i32, %arg2: memref<8x16x4096xf32, #tpu.memory_space<hbm>>, %arg3: memref<8x16x4096xi32, #tpu.memory_space<hbm>>, %arg4: memref<98304xf32, #tpu.memory_space<hbm>>, %arg5: memref<98304xf32, #tpu.memory_space<hbm>>, %arg6: memref<16x1024xf32, #tpu.memory_space<vmem>>, %arg7: memref<16x1024xi32, #tpu.memory_space<vmem>>, %arg8: memref<4096xf32, #tpu.memory_space<vmem>>, %arg9: memref<4096xf32, #tpu.memory_space<vmem>>, %arg10: memref<4096xf32, #tpu.memory_space<vmem>>, %arg11: memref<1024xf32, #tpu.memory_space<vmem>>, %arg12: memref<1024xf32, #tpu.memory_space<vmem>>, %arg13: memref<1024xf32, #tpu.memory_space<vmem>>) attributes {dimension_semantics = [#tpu.dimension_semantics<core_parallel>, #tpu.dimension_semantics<subcore_parallel>], iteration_bounds = array<i64: 2, 16>, scalar_prefetch = 0 : i64, scratch_operands = 8 : i64, tpu.core_type = #tpu.core_type<sc_vector_subcore>, window_params = [{transform_indices = #map}, {transform_indices = #map}, {transform_indices = #map1}, {transform_indices = #map1}]} {
    %mul3A = arith.constant 2 : i32
    %mul3A_0 = arith.muli %arg1, %mul3A : i32
    %add3A = arith.addi %mul3A_0, %arg0 : i32
    %jit3A = arith.constant 4 : i32
    %div3A = arith.divsi %add3A, %jit3A : i32
    %sign3A = arith.constant 0 : i32
    %sign3A_1 = arith.cmpi sgt, %add3A, %sign3A : i32
    %sign3A_2 = arith.extui %sign3A_1 : i1 to i32
    %sign3A_3 = arith.constant 0 : i32
    %sign3A_4 = arith.cmpi slt, %add3A, %sign3A_3 : i32
    %sign3A_5 = arith.extui %sign3A_4 : i1 to i32
    %sign3A_6 = arith.subi %sign3A_2, %sign3A_5 : i32
    %sign3A_7 = arith.constant 0 : i32
    %sign3A_8 = arith.cmpi sgt, %jit3A, %sign3A_7 : i32
    %sign3A_9 = arith.extui %sign3A_8 : i1 to i32
    %sign3A_10 = arith.constant 0 : i32
    %sign3A_11 = arith.cmpi slt, %jit3A, %sign3A_10 : i32
    %sign3A_12 = arith.extui %sign3A_11 : i1 to i32
    %sign3A_13 = arith.subi %sign3A_9, %sign3A_12 : i32
    %ne3A = arith.cmpi ne, %sign3A_6, %sign3A_13 : i32
    %rem3A = arith.remsi %add3A, %jit3A : i32
    %ne3A_14 = arith.constant 0 : i32
    %ne3A_15 = arith.cmpi ne, %rem3A, %ne3A_14 : i32
    %and3A = arith.andi %ne3A, %ne3A_15 : i1
    %sub3A = arith.constant 1 : i32
    %sub3A_16 = arith.subi %div3A, %sub3A : i32
    %select_n3A = arith.select %and3A, %sub3A_16, %div3A : i32
    %jit3A_17 = arith.constant 4 : i32
    %eq3A = arith.constant 0 : i32
    %eq3A_18 = arith.cmpi eq, %jit3A_17, %eq3A : i32
    %jit3A_19 = arith.constant 1 : i32
    %select_n3A_20 = arith.select %eq3A_18, %jit3A_19, %jit3A_17 : i32
    %rem3A_21 = arith.remsi %add3A, %select_n3A_20 : i32
    %ne3A_22 = arith.constant 0 : i32
    %ne3A_23 = arith.cmpi ne, %rem3A_21, %ne3A_22 : i32
    %lt3A = arith.constant 0 : i32
    %lt3A_24 = arith.cmpi slt, %rem3A_21, %lt3A : i32
    %lt3A_25 = arith.constant 0 : i32
    %lt3A_26 = arith.cmpi slt, %select_n3A_20, %lt3A_25 : i32
    %ne3A_27 = arith.xori %lt3A_24, %lt3A_26 : i1
    %and3A_28 = arith.andi %ne3A_27, %ne3A_23 : i1
    %add3A_29 = arith.addi %rem3A_21, %select_n3A_20 : i32
    %select_n3A_30 = arith.select %and3A_28, %add3A_29, %rem3A_21 : i32
    %mul3A_31 = arith.constant 1024 : i32
    %mul3A_32 = arith.muli %select_n3A_30, %mul3A_31 : i32
    "tpu.region"() ({
      %run_scoped3A = tpu.sem_alloc : memref<!tpu.dma_semaphore, #tpu.memory_space<semaphore_mem>>
      %dma_start3A = arith.constant 0 : i32
      %dma_start3A_77 = tpu.memref_slice %arg2[%select_n3A, %dma_start3A, %mul3A_32] : memref<8x16x4096xf32, #tpu.memory_space<hbm>> -> memref<1x16x1024xf32, #tpu.memory_space<hbm>>
      %dma_start3A_78 = tpu.memref_squeeze %dma_start3A_77 : memref<1x16x1024xf32, #tpu.memory_space<hbm>> -> memref<16x1024xf32, #tpu.memory_space<hbm>>
      %dma_start3A_79 = arith.constant 0 : i32
      %dma_start3A_80 = tpu.memref_slice %arg2[%select_n3A, %dma_start3A_79, %mul3A_32] : memref<8x16x4096xf32, #tpu.memory_space<hbm>> -> memref<1x16x1024xf32, #tpu.memory_space<hbm>>
      %dma_start3A_81 = tpu.memref_squeeze %dma_start3A_80 : memref<1x16x1024xf32, #tpu.memory_space<hbm>> -> memref<16x1024xf32, #tpu.memory_space<hbm>>
      tpu.enqueue_dma source(%dma_start3A_81 : memref<16x1024xf32, #tpu.memory_space<hbm>>) target(%arg6 : memref<16x1024xf32, #tpu.memory_space<vmem>>) target_semaphore(%run_scoped3A : memref<!tpu.dma_semaphore, #tpu.memory_space<semaphore_mem>>)
      %dma_wait3A = arith.constant 0 : i32
      %dma_wait3A_82 = tpu.memref_slice %arg2[%select_n3A, %dma_wait3A, %mul3A_32] : memref<8x16x4096xf32, #tpu.memory_space<hbm>> -> memref<1x16x1024xf32, #tpu.memory_space<hbm>>
      %dma_wait3A_83 = tpu.memref_squeeze %dma_wait3A_82 : memref<1x16x1024xf32, #tpu.memory_space<hbm>> -> memref<16x1024xf32, #tpu.memory_space<hbm>>
      %dma_wait3A_84 = arith.constant 0 : i32
      %dma_wait3A_85 = tpu.memref_slice %arg2[%select_n3A, %dma_wait3A_84, %mul3A_32] : memref<8x16x4096xf32, #tpu.memory_space<hbm>> -> memref<1x16x1024xf32, #tpu.memory_space<hbm>>
      %dma_wait3A_86 = tpu.memref_squeeze %dma_wait3A_85 : memref<1x16x1024xf32, #tpu.memory_space<hbm>> -> memref<16x1024xf32, #tpu.memory_space<hbm>>
      tpu.wait_dma2 semaphore(%run_scoped3A : memref<!tpu.dma_semaphore, #tpu.memory_space<semaphore_mem>>) src(%dma_wait3A_86 : memref<16x1024xf32, #tpu.memory_space<hbm>>) dst(%arg6 : memref<16x1024xf32, #tpu.memory_space<vmem>>)
      tpu.yield
    }) : () -> ()
    "tpu.region"() ({
      %run_scoped3A = tpu.sem_alloc : memref<!tpu.dma_semaphore, #tpu.memory_space<semaphore_mem>>
      %dma_start3A = arith.constant 0 : i32
      %dma_start3A_77 = tpu.memref_slice %arg3[%select_n3A, %dma_start3A, %mul3A_32] : memref<8x16x4096xi32, #tpu.memory_space<hbm>> -> memref<1x16x1024xi32, #tpu.memory_space<hbm>>
      %dma_start3A_78 = tpu.memref_squeeze %dma_start3A_77 : memref<1x16x1024xi32, #tpu.memory_space<hbm>> -> memref<16x1024xi32, #tpu.memory_space<hbm>>
      %dma_start3A_79 = arith.constant 0 : i32
      %dma_start3A_80 = tpu.memref_slice %arg3[%select_n3A, %dma_start3A_79, %mul3A_32] : memref<8x16x4096xi32, #tpu.memory_space<hbm>> -> memref<1x16x1024xi32, #tpu.memory_space<hbm>>
      %dma_start3A_81 = tpu.memref_squeeze %dma_start3A_80 : memref<1x16x1024xi32, #tpu.memory_space<hbm>> -> memref<16x1024xi32, #tpu.memory_space<hbm>>
      tpu.enqueue_dma source(%dma_start3A_81 : memref<16x1024xi32, #tpu.memory_space<hbm>>) target(%arg7 : memref<16x1024xi32, #tpu.memory_space<vmem>>) target_semaphore(%run_scoped3A : memref<!tpu.dma_semaphore, #tpu.memory_space<semaphore_mem>>)
      %dma_wait3A = arith.constant 0 : i32
      %dma_wait3A_82 = tpu.memref_slice %arg3[%select_n3A, %dma_wait3A, %mul3A_32] : memref<8x16x4096xi32, #tpu.memory_space<hbm>> -> memref<1x16x1024xi32, #tpu.memory_space<hbm>>
      %dma_wait3A_83 = tpu.memref_squeeze %dma_wait3A_82 : memref<1x16x1024xi32, #tpu.memory_space<hbm>> -> memref<16x1024xi32, #tpu.memory_space<hbm>>
      %dma_wait3A_84 = arith.constant 0 : i32
      %dma_wait3A_85 = tpu.memref_slice %arg3[%select_n3A, %dma_wait3A_84, %mul3A_32] : memref<8x16x4096xi32, #tpu.memory_space<hbm>> -> memref<1x16x1024xi32, #tpu.memory_space<hbm>>
      %dma_wait3A_86 = tpu.memref_squeeze %dma_wait3A_85 : memref<1x16x1024xi32, #tpu.memory_space<hbm>> -> memref<16x1024xi32, #tpu.memory_space<hbm>>
      tpu.wait_dma2 semaphore(%run_scoped3A : memref<!tpu.dma_semaphore, #tpu.memory_space<semaphore_mem>>) src(%dma_wait3A_86 : memref<16x1024xi32, #tpu.memory_space<hbm>>) dst(%arg7 : memref<16x1024xi32, #tpu.memory_space<vmem>>)
      tpu.yield
    }) : () -> ()
    %mul3A_33 = arith.constant 3 : i32
    %mul3A_34 = arith.muli %select_n3A, %mul3A_33 : i32
    %add3A_35 = arith.constant 0 : i32
    %add3A_36 = arith.addi %mul3A_34, %add3A_35 : i32
    %mul3A_37 = arith.constant 4096 : i32
    %mul3A_38 = arith.muli %add3A_36, %mul3A_37 : i32
    "tpu.region"() ({
      %run_scoped3A = tpu.sem_alloc : memref<!tpu.dma_semaphore, #tpu.memory_space<semaphore_mem>>
      %dma_start3A = tpu.memref_slice %arg4[%mul3A_38] : memref<98304xf32, #tpu.memory_space<hbm>> -> memref<4096xf32, #tpu.memory_space<hbm>>
      %dma_start3A_77 = tpu.memref_slice %arg4[%mul3A_38] : memref<98304xf32, #tpu.memory_space<hbm>> -> memref<4096xf32, #tpu.memory_space<hbm>>
      tpu.enqueue_dma source(%dma_start3A_77 : memref<4096xf32, #tpu.memory_space<hbm>>) target(%arg8 : memref<4096xf32, #tpu.memory_space<vmem>>) target_semaphore(%run_scoped3A : memref<!tpu.dma_semaphore, #tpu.memory_space<semaphore_mem>>)
      %dma_wait3A = tpu.memref_slice %arg4[%mul3A_38] : memref<98304xf32, #tpu.memory_space<hbm>> -> memref<4096xf32, #tpu.memory_space<hbm>>
      %dma_wait3A_78 = tpu.memref_slice %arg4[%mul3A_38] : memref<98304xf32, #tpu.memory_space<hbm>> -> memref<4096xf32, #tpu.memory_space<hbm>>
      tpu.wait_dma2 semaphore(%run_scoped3A : memref<!tpu.dma_semaphore, #tpu.memory_space<semaphore_mem>>) src(%dma_wait3A_78 : memref<4096xf32, #tpu.memory_space<hbm>>) dst(%arg8 : memref<4096xf32, #tpu.memory_space<vmem>>)
      tpu.yield
    }) : () -> ()
    %mul3A_39 = arith.constant 3 : i32
    %mul3A_40 = arith.muli %select_n3A, %mul3A_39 : i32
    %add3A_41 = arith.constant 1 : i32
    %add3A_42 = arith.addi %mul3A_40, %add3A_41 : i32
    %mul3A_43 = arith.constant 4096 : i32
    %mul3A_44 = arith.muli %add3A_42, %mul3A_43 : i32
    "tpu.region"() ({
      %run_scoped3A = tpu.sem_alloc : memref<!tpu.dma_semaphore, #tpu.memory_space<semaphore_mem>>
      %dma_start3A = tpu.memref_slice %arg4[%mul3A_44] : memref<98304xf32, #tpu.memory_space<hbm>> -> memref<4096xf32, #tpu.memory_space<hbm>>
      %dma_start3A_77 = tpu.memref_slice %arg4[%mul3A_44] : memref<98304xf32, #tpu.memory_space<hbm>> -> memref<4096xf32, #tpu.memory_space<hbm>>
      tpu.enqueue_dma source(%dma_start3A_77 : memref<4096xf32, #tpu.memory_space<hbm>>) target(%arg9 : memref<4096xf32, #tpu.memory_space<vmem>>) target_semaphore(%run_scoped3A : memref<!tpu.dma_semaphore, #tpu.memory_space<semaphore_mem>>)
      %dma_wait3A = tpu.memref_slice %arg4[%mul3A_44] : memref<98304xf32, #tpu.memory_space<hbm>> -> memref<4096xf32, #tpu.memory_space<hbm>>
      %dma_wait3A_78 = tpu.memref_slice %arg4[%mul3A_44] : memref<98304xf32, #tpu.memory_space<hbm>> -> memref<4096xf32, #tpu.memory_space<hbm>>
      tpu.wait_dma2 semaphore(%run_scoped3A : memref<!tpu.dma_semaphore, #tpu.memory_space<semaphore_mem>>) src(%dma_wait3A_78 : memref<4096xf32, #tpu.memory_space<hbm>>) dst(%arg9 : memref<4096xf32, #tpu.memory_space<vmem>>)
      tpu.yield
    }) : () -> ()
    %mul3A_45 = arith.constant 3 : i32
    %mul3A_46 = arith.muli %select_n3A, %mul3A_45 : i32
    %add3A_47 = arith.constant 2 : i32
    %add3A_48 = arith.addi %mul3A_46, %add3A_47 : i32
    %mul3A_49 = arith.constant 4096 : i32
    %mul3A_50 = arith.muli %add3A_48, %mul3A_49 : i32
    "tpu.region"() ({
      %run_scoped3A = tpu.sem_alloc : memref<!tpu.dma_semaphore, #tpu.memory_space<semaphore_mem>>
      %dma_start3A = tpu.memref_slice %arg4[%mul3A_50] : memref<98304xf32, #tpu.memory_space<hbm>> -> memref<4096xf32, #tpu.memory_space<hbm>>
      %dma_start3A_77 = tpu.memref_slice %arg4[%mul3A_50] : memref<98304xf32, #tpu.memory_space<hbm>> -> memref<4096xf32, #tpu.memory_space<hbm>>
      tpu.enqueue_dma source(%dma_start3A_77 : memref<4096xf32, #tpu.memory_space<hbm>>) target(%arg10 : memref<4096xf32, #tpu.memory_space<vmem>>) target_semaphore(%run_scoped3A : memref<!tpu.dma_semaphore, #tpu.memory_space<semaphore_mem>>)
      %dma_wait3A = tpu.memref_slice %arg4[%mul3A_50] : memref<98304xf32, #tpu.memory_space<hbm>> -> memref<4096xf32, #tpu.memory_space<hbm>>
      %dma_wait3A_78 = tpu.memref_slice %arg4[%mul3A_50] : memref<98304xf32, #tpu.memory_space<hbm>> -> memref<4096xf32, #tpu.memory_space<hbm>>
      tpu.wait_dma2 semaphore(%run_scoped3A : memref<!tpu.dma_semaphore, #tpu.memory_space<semaphore_mem>>) src(%dma_wait3A_78 : memref<4096xf32, #tpu.memory_space<hbm>>) dst(%arg10 : memref<4096xf32, #tpu.memory_space<vmem>>)
      tpu.yield
    }) : () -> ()
    %scan3A = arith.constant 0 : i32
    %scan3A_51 = arith.constant 0 : i32
    %scan3A_52 = arith.constant 64 : i32
    %scan3A_53 = arith.addi %scan3A_51, %scan3A_52 : i32
    %scan3A_54 = arith.constant 1 : i32
    scf.for %scan3A_77 = %scan3A_51 to %scan3A_53 step %scan3A_54  : i32 {
      %mul3A_78 = arith.constant 16 : i32
      %mul3A_79 = arith.muli %scan3A_77, %mul3A_78 : i32
      %broadcast_in_dim3A = arith.constant 0.000000e+00 : f32
      %broadcast_in_dim3A_80 = vector.broadcast %broadcast_in_dim3A : f32 to vector<16xf32>
      %broadcast_in_dim3A_81 = arith.constant 0.000000e+00 : f32
      %broadcast_in_dim3A_82 = vector.broadcast %broadcast_in_dim3A_81 : f32 to vector<16xf32>
      %broadcast_in_dim3A_83 = arith.constant 0.000000e+00 : f32
      %broadcast_in_dim3A_84 = vector.broadcast %broadcast_in_dim3A_83 : f32 to vector<16xf32>
      %get3A = arith.constant 0 : i32
      %get3A_85 = arith.index_cast %get3A : i32 to index
      %get3A_86 = arith.index_cast %mul3A_79 : i32 to index
      %get3A_87 = tpu.vector_load %arg6[%get3A_85, %get3A_86] {strides = array<i32>} : memref<16x1024xf32, #tpu.memory_space<vmem>>, vector<16xf32>,
      %get3A_88 = arith.constant 0 : i32
      %get3A_89 = arith.index_cast %get3A_88 : i32 to index
      %get3A_90 = arith.index_cast %mul3A_79 : i32 to index
      %get3A_91 = tpu.vector_load %arg7[%get3A_89, %get3A_90] {strides = array<i32>} : memref<16x1024xi32, #tpu.memory_space<vmem>>, vector<16xi32>,
      %gather3A = tpu.vector_load_idx %arg8[%get3A_91] : memref<4096xf32, #tpu.memory_space<vmem>>[vector<16xi32>], vector<16xf32>,
      %mul3A_92 = arith.mulf %get3A_87, %gather3A : vector<16xf32>
      %add3A_93 = arith.addf %broadcast_in_dim3A_80, %mul3A_92 : vector<16xf32>
      %gather3A_94 = tpu.vector_load_idx %arg9[%get3A_91] : memref<4096xf32, #tpu.memory_space<vmem>>[vector<16xi32>], vector<16xf32>,
      %mul3A_95 = arith.mulf %get3A_87, %gather3A_94 : vector<16xf32>
      %add3A_96 = arith.addf %broadcast_in_dim3A_82, %mul3A_95 : vector<16xf32>
      %gather3A_97 = tpu.vector_load_idx %arg10[%get3A_91] : memref<4096xf32, #tpu.memory_space<vmem>>[vector<16xi32>], vector<16xf32>,
      %mul3A_98 = arith.mulf %get3A_87, %gather3A_97 : vector<16xf32>
      %add3A_99 = arith.addf %broadcast_in_dim3A_84, %mul3A_98 : vector<16xf32>
      %get3A_100 = arith.constant 1 : i32
      %get3A_101 = arith.index_cast %get3A_100 : i32 to index
      %get3A_102 = arith.index_cast %mul3A_79 : i32 to index
      %get3A_103 = tpu.vector_load %arg6[%get3A_101, %get3A_102] {strides = array<i32>} : memref<16x1024xf32, #tpu.memory_space<vmem>>, vector<16xf32>,
      %get3A_104 = arith.constant 1 : i32
      %get3A_105 = arith.index_cast %get3A_104 : i32 to index
      %get3A_106 = arith.index_cast %mul3A_79 : i32 to index
      %get3A_107 = tpu.vector_load %arg7[%get3A_105, %get3A_106] {strides = array<i32>} : memref<16x1024xi32, #tpu.memory_space<vmem>>, vector<16xi32>,
      %gather3A_108 = tpu.vector_load_idx %arg8[%get3A_107] : memref<4096xf32, #tpu.memory_space<vmem>>[vector<16xi32>], vector<16xf32>,
      %mul3A_109 = arith.mulf %get3A_103, %gather3A_108 : vector<16xf32>
      %add3A_110 = arith.addf %add3A_93, %mul3A_109 : vector<16xf32>
      %gather3A_111 = tpu.vector_load_idx %arg9[%get3A_107] : memref<4096xf32, #tpu.memory_space<vmem>>[vector<16xi32>], vector<16xf32>,
      %mul3A_112 = arith.mulf %get3A_103, %gather3A_111 : vector<16xf32>
      %add3A_113 = arith.addf %add3A_96, %mul3A_112 : vector<16xf32>
      %gather3A_114 = tpu.vector_load_idx %arg10[%get3A_107] : memref<4096xf32, #tpu.memory_space<vmem>>[vector<16xi32>], vector<16xf32>,
      %mul3A_115 = arith.mulf %get3A_103, %gather3A_114 : vector<16xf32>
      %add3A_116 = arith.addf %add3A_99, %mul3A_115 : vector<16xf32>
      %get3A_117 = arith.constant 2 : i32
      %get3A_118 = arith.index_cast %get3A_117 : i32 to index
      %get3A_119 = arith.index_cast %mul3A_79 : i32 to index
      %get3A_120 = tpu.vector_load %arg6[%get3A_118, %get3A_119] {strides = array<i32>} : memref<16x1024xf32, #tpu.memory_space<vmem>>, vector<16xf32>,
      %get3A_121 = arith.constant 2 : i32
      %get3A_122 = arith.index_cast %get3A_121 : i32 to index
      %get3A_123 = arith.index_cast %mul3A_79 : i32 to index
      %get3A_124 = tpu.vector_load %arg7[%get3A_122, %get3A_123] {strides = array<i32>} : memref<16x1024xi32, #tpu.memory_space<vmem>>, vector<16xi32>,
      %gather3A_125 = tpu.vector_load_idx %arg8[%get3A_124] : memref<4096xf32, #tpu.memory_space<vmem>>[vector<16xi32>], vector<16xf32>,
      %mul3A_126 = arith.mulf %get3A_120, %gather3A_125 : vector<16xf32>
      %add3A_127 = arith.addf %add3A_110, %mul3A_126 : vector<16xf32>
      %gather3A_128 = tpu.vector_load_idx %arg9[%get3A_124] : memref<4096xf32, #tpu.memory_space<vmem>>[vector<16xi32>], vector<16xf32>,
      %mul3A_129 = arith.mulf %get3A_120, %gather3A_128 : vector<16xf32>
      %add3A_130 = arith.addf %add3A_113, %mul3A_129 : vector<16xf32>
      %gather3A_131 = tpu.vector_load_idx %arg10[%get3A_124] : memref<4096xf32, #tpu.memory_space<vmem>>[vector<16xi32>], vector<16xf32>,
      %mul3A_132 = arith.mulf %get3A_120, %gather3A_131 : vector<16xf32>
      %add3A_133 = arith.addf %add3A_116, %mul3A_132 : vector<16xf32>
      %get3A_134 = arith.constant 3 : i32
      %get3A_135 = arith.index_cast %get3A_134 : i32 to index
      %get3A_136 = arith.index_cast %mul3A_79 : i32 to index
      %get3A_137 = tpu.vector_load %arg6[%get3A_135, %get3A_136] {strides = array<i32>} : memref<16x1024xf32, #tpu.memory_space<vmem>>, vector<16xf32>,
      %get3A_138 = arith.constant 3 : i32
      %get3A_139 = arith.index_cast %get3A_138 : i32 to index
      %get3A_140 = arith.index_cast %mul3A_79 : i32 to index
      %get3A_141 = tpu.vector_load %arg7[%get3A_139, %get3A_140] {strides = array<i32>} : memref<16x1024xi32, #tpu.memory_space<vmem>>, vector<16xi32>,
      %gather3A_142 = tpu.vector_load_idx %arg8[%get3A_141] : memref<4096xf32, #tpu.memory_space<vmem>>[vector<16xi32>], vector<16xf32>,
      %mul3A_143 = arith.mulf %get3A_137, %gather3A_142 : vector<16xf32>
      %add3A_144 = arith.addf %add3A_127, %mul3A_143 : vector<16xf32>
      %gather3A_145 = tpu.vector_load_idx %arg9[%get3A_141] : memref<4096xf32, #tpu.memory_space<vmem>>[vector<16xi32>], vector<16xf32>,
      %mul3A_146 = arith.mulf %get3A_137, %gather3A_145 : vector<16xf32>
      %add3A_147 = arith.addf %add3A_130, %mul3A_146 : vector<16xf32>
      %gather3A_148 = tpu.vector_load_idx %arg10[%get3A_141] : memref<4096xf32, #tpu.memory_space<vmem>>[vector<16xi32>], vector<16xf32>,
      %mul3A_149 = arith.mulf %get3A_137, %gather3A_148 : vector<16xf32>
      %add3A_150 = arith.addf %add3A_133, %mul3A_149 : vector<16xf32>
      %get3A_151 = arith.constant 4 : i32
      %get3A_152 = arith.index_cast %get3A_151 : i32 to index
      %get3A_153 = arith.index_cast %mul3A_79 : i32 to index
      %get3A_154 = tpu.vector_load %arg6[%get3A_152, %get3A_153] {strides = array<i32>} : memref<16x1024xf32, #tpu.memory_space<vmem>>, vector<16xf32>,
      %get3A_155 = arith.constant 4 : i32
      %get3A_156 = arith.index_cast %get3A_155 : i32 to index
      %get3A_157 = arith.index_cast %mul3A_79 : i32 to index
      %get3A_158 = tpu.vector_load %arg7[%get3A_156, %get3A_157] {strides = array<i32>} : memref<16x1024xi32, #tpu.memory_space<vmem>>, vector<16xi32>,
      %gather3A_159 = tpu.vector_load_idx %arg8[%get3A_158] : memref<4096xf32, #tpu.memory_space<vmem>>[vector<16xi32>], vector<16xf32>,
      %mul3A_160 = arith.mulf %get3A_154, %gather3A_159 : vector<16xf32>
      %add3A_161 = arith.addf %add3A_144, %mul3A_160 : vector<16xf32>
      %gather3A_162 = tpu.vector_load_idx %arg9[%get3A_158] : memref<4096xf32, #tpu.memory_space<vmem>>[vector<16xi32>], vector<16xf32>,
      %mul3A_163 = arith.mulf %get3A_154, %gather3A_162 : vector<16xf32>
      %add3A_164 = arith.addf %add3A_147, %mul3A_163 : vector<16xf32>
      %gather3A_165 = tpu.vector_load_idx %arg10[%get3A_158] : memref<4096xf32, #tpu.memory_space<vmem>>[vector<16xi32>], vector<16xf32>,
      %mul3A_166 = arith.mulf %get3A_154, %gather3A_165 : vector<16xf32>
      %add3A_167 = arith.addf %add3A_150, %mul3A_166 : vector<16xf32>
      %get3A_168 = arith.constant 5 : i32
      %get3A_169 = arith.index_cast %get3A_168 : i32 to index
      %get3A_170 = arith.index_cast %mul3A_79 : i32 to index
      %get3A_171 = tpu.vector_load %arg6[%get3A_169, %get3A_170] {strides = array<i32>} : memref<16x1024xf32, #tpu.memory_space<vmem>>, vector<16xf32>,
      %get3A_172 = arith.constant 5 : i32
      %get3A_173 = arith.index_cast %get3A_172 : i32 to index
      %get3A_174 = arith.index_cast %mul3A_79 : i32 to index
      %get3A_175 = tpu.vector_load %arg7[%get3A_173, %get3A_174] {strides = array<i32>} : memref<16x1024xi32, #tpu.memory_space<vmem>>, vector<16xi32>,
      %gather3A_176 = tpu.vector_load_idx %arg8[%get3A_175] : memref<4096xf32, #tpu.memory_space<vmem>>[vector<16xi32>], vector<16xf32>,
      %mul3A_177 = arith.mulf %get3A_171, %gather3A_176 : vector<16xf32>
      %add3A_178 = arith.addf %add3A_161, %mul3A_177 : vector<16xf32>
      %gather3A_179 = tpu.vector_load_idx %arg9[%get3A_175] : memref<4096xf32, #tpu.memory_space<vmem>>[vector<16xi32>], vector<16xf32>,
      %mul3A_180 = arith.mulf %get3A_171, %gather3A_179 : vector<16xf32>
      %add3A_181 = arith.addf %add3A_164, %mul3A_180 : vector<16xf32>
      %gather3A_182 = tpu.vector_load_idx %arg10[%get3A_175] : memref<4096xf32, #tpu.memory_space<vmem>>[vector<16xi32>], vector<16xf32>,
      %mul3A_183 = arith.mulf %get3A_171, %gather3A_182 : vector<16xf32>
      %add3A_184 = arith.addf %add3A_167, %mul3A_183 : vector<16xf32>
      %get3A_185 = arith.constant 6 : i32
      %get3A_186 = arith.index_cast %get3A_185 : i32 to index
      %get3A_187 = arith.index_cast %mul3A_79 : i32 to index
      %get3A_188 = tpu.vector_load %arg6[%get3A_186, %get3A_187] {strides = array<i32>} : memref<16x1024xf32, #tpu.memory_space<vmem>>, vector<16xf32>,
      %get3A_189 = arith.constant 6 : i32
      %get3A_190 = arith.index_cast %get3A_189 : i32 to index
      %get3A_191 = arith.index_cast %mul3A_79 : i32 to index
      %get3A_192 = tpu.vector_load %arg7[%get3A_190, %get3A_191] {strides = array<i32>} : memref<16x1024xi32, #tpu.memory_space<vmem>>, vector<16xi32>,
      %gather3A_193 = tpu.vector_load_idx %arg8[%get3A_192] : memref<4096xf32, #tpu.memory_space<vmem>>[vector<16xi32>], vector<16xf32>,
      %mul3A_194 = arith.mulf %get3A_188, %gather3A_193 : vector<16xf32>
      %add3A_195 = arith.addf %add3A_178, %mul3A_194 : vector<16xf32>
      %gather3A_196 = tpu.vector_load_idx %arg9[%get3A_192] : memref<4096xf32, #tpu.memory_space<vmem>>[vector<16xi32>], vector<16xf32>,
      %mul3A_197 = arith.mulf %get3A_188, %gather3A_196 : vector<16xf32>
      %add3A_198 = arith.addf %add3A_181, %mul3A_197 : vector<16xf32>
      %gather3A_199 = tpu.vector_load_idx %arg10[%get3A_192] : memref<4096xf32, #tpu.memory_space<vmem>>[vector<16xi32>], vector<16xf32>,
      %mul3A_200 = arith.mulf %get3A_188, %gather3A_199 : vector<16xf32>
      %add3A_201 = arith.addf %add3A_184, %mul3A_200 : vector<16xf32>
      %get3A_202 = arith.constant 7 : i32
      %get3A_203 = arith.index_cast %get3A_202 : i32 to index
      %get3A_204 = arith.index_cast %mul3A_79 : i32 to index
      %get3A_205 = tpu.vector_load %arg6[%get3A_203, %get3A_204] {strides = array<i32>} : memref<16x1024xf32, #tpu.memory_space<vmem>>, vector<16xf32>,
      %get3A_206 = arith.constant 7 : i32
      %get3A_207 = arith.index_cast %get3A_206 : i32 to index
      %get3A_208 = arith.index_cast %mul3A_79 : i32 to index
      %get3A_209 = tpu.vector_load %arg7[%get3A_207, %get3A_208] {strides = array<i32>} : memref<16x1024xi32, #tpu.memory_space<vmem>>, vector<16xi32>,
      %gather3A_210 = tpu.vector_load_idx %arg8[%get3A_209] : memref<4096xf32, #tpu.memory_space<vmem>>[vector<16xi32>], vector<16xf32>,
      %mul3A_211 = arith.mulf %get3A_205, %gather3A_210 : vector<16xf32>
      %add3A_212 = arith.addf %add3A_195, %mul3A_211 : vector<16xf32>
      %gather3A_213 = tpu.vector_load_idx %arg9[%get3A_209] : memref<4096xf32, #tpu.memory_space<vmem>>[vector<16xi32>], vector<16xf32>,
      %mul3A_214 = arith.mulf %get3A_205, %gather3A_213 : vector<16xf32>
      %add3A_215 = arith.addf %add3A_198, %mul3A_214 : vector<16xf32>
      %gather3A_216 = tpu.vector_load_idx %arg10[%get3A_209] : memref<4096xf32, #tpu.memory_space<vmem>>[vector<16xi32>], vector<16xf32>,
      %mul3A_217 = arith.mulf %get3A_205, %gather3A_216 : vector<16xf32>
      %add3A_218 = arith.addf %add3A_201, %mul3A_217 : vector<16xf32>
      %get3A_219 = arith.constant 8 : i32
      %get3A_220 = arith.index_cast %get3A_219 : i32 to index
      %get3A_221 = arith.index_cast %mul3A_79 : i32 to index
      %get3A_222 = tpu.vector_load %arg6[%get3A_220, %get3A_221] {strides = array<i32>} : memref<16x1024xf32, #tpu.memory_space<vmem>>, vector<16xf32>,
      %get3A_223 = arith.constant 8 : i32
      %get3A_224 = arith.index_cast %get3A_223 : i32 to index
      %get3A_225 = arith.index_cast %mul3A_79 : i32 to index
      %get3A_226 = tpu.vector_load %arg7[%get3A_224, %get3A_225] {strides = array<i32>} : memref<16x1024xi32, #tpu.memory_space<vmem>>, vector<16xi32>,
      %gather3A_227 = tpu.vector_load_idx %arg8[%get3A_226] : memref<4096xf32, #tpu.memory_space<vmem>>[vector<16xi32>], vector<16xf32>,
      %mul3A_228 = arith.mulf %get3A_222, %gather3A_227 : vector<16xf32>
      %add3A_229 = arith.addf %add3A_212, %mul3A_228 : vector<16xf32>
      %gather3A_230 = tpu.vector_load_idx %arg9[%get3A_226] : memref<4096xf32, #tpu.memory_space<vmem>>[vector<16xi32>], vector<16xf32>,
      %mul3A_231 = arith.mulf %get3A_222, %gather3A_230 : vector<16xf32>
      %add3A_232 = arith.addf %add3A_215, %mul3A_231 : vector<16xf32>
      %gather3A_233 = tpu.vector_load_idx %arg10[%get3A_226] : memref<4096xf32, #tpu.memory_space<vmem>>[vector<16xi32>], vector<16xf32>,
      %mul3A_234 = arith.mulf %get3A_222, %gather3A_233 : vector<16xf32>
      %add3A_235 = arith.addf %add3A_218, %mul3A_234 : vector<16xf32>
      %get3A_236 = arith.constant 9 : i32
      %get3A_237 = arith.index_cast %get3A_236 : i32 to index
      %get3A_238 = arith.index_cast %mul3A_79 : i32 to index
      %get3A_239 = tpu.vector_load %arg6[%get3A_237, %get3A_238] {strides = array<i32>} : memref<16x1024xf32, #tpu.memory_space<vmem>>, vector<16xf32>,
      %get3A_240 = arith.constant 9 : i32
      %get3A_241 = arith.index_cast %get3A_240 : i32 to index
      %get3A_242 = arith.index_cast %mul3A_79 : i32 to index
      %get3A_243 = tpu.vector_load %arg7[%get3A_241, %get3A_242] {strides = array<i32>} : memref<16x1024xi32, #tpu.memory_space<vmem>>, vector<16xi32>,
      %gather3A_244 = tpu.vector_load_idx %arg8[%get3A_243] : memref<4096xf32, #tpu.memory_space<vmem>>[vector<16xi32>], vector<16xf32>,
      %mul3A_245 = arith.mulf %get3A_239, %gather3A_244 : vector<16xf32>
      %add3A_246 = arith.addf %add3A_229, %mul3A_245 : vector<16xf32>
      %gather3A_247 = tpu.vector_load_idx %arg9[%get3A_243] : memref<4096xf32, #tpu.memory_space<vmem>>[vector<16xi32>], vector<16xf32>,
      %mul3A_248 = arith.mulf %get3A_239, %gather3A_247 : vector<16xf32>
      %add3A_249 = arith.addf %add3A_232, %mul3A_248 : vector<16xf32>
      %gather3A_250 = tpu.vector_load_idx %arg10[%get3A_243] : memref<4096xf32, #tpu.memory_space<vmem>>[vector<16xi32>], vector<16xf32>,
      %mul3A_251 = arith.mulf %get3A_239, %gather3A_250 : vector<16xf32>
      %add3A_252 = arith.addf %add3A_235, %mul3A_251 : vector<16xf32>
      %swap3A = arith.index_cast %mul3A_79 : i32 to index
      %swap3A_253 = tpu.vector_load %arg11[%swap3A] {strides = array<i32>} : memref<1024xf32, #tpu.memory_space<vmem>>, vector<16xf32>,
      tpu.vector_store %arg11[%swap3A], %add3A_246 {strides = array<i32>} : memref<1024xf32, #tpu.memory_space<vmem>>, vector<16xf32>,
      %swap3A_254 = arith.index_cast %mul3A_79 : i32 to index
      %swap3A_255 = tpu.vector_load %arg12[%swap3A_254] {strides = array<i32>} : memref<1024xf32, #tpu.memory_space<vmem>>, vector<16xf32>,
      tpu.vector_store %arg12[%swap3A_254], %add3A_249 {strides = array<i32>} : memref<1024xf32, #tpu.memory_space<vmem>>, vector<16xf32>,
      %swap3A_256 = arith.index_cast %mul3A_79 : i32 to index
      %swap3A_257 = tpu.vector_load %arg13[%swap3A_256] {strides = array<i32>} : memref<1024xf32, #tpu.memory_space<vmem>>, vector<16xf32>,
      tpu.vector_store %arg13[%swap3A_256], %add3A_252 {strides = array<i32>} : memref<1024xf32, #tpu.memory_space<vmem>>, vector<16xf32>,
    }
    %scan3A_55 = arith.constant 64 : i32
    %mul3A_56 = arith.constant 3 : i32
    %mul3A_57 = arith.muli %select_n3A, %mul3A_56 : i32
    %add3A_58 = arith.constant 0 : i32
    %add3A_59 = arith.addi %mul3A_57, %add3A_58 : i32
    %mul3A_60 = arith.constant 4096 : i32
    %mul3A_61 = arith.muli %add3A_59, %mul3A_60 : i32
    %add3A_62 = arith.addi %mul3A_61, %mul3A_32 : i32
    "tpu.region"() ({
      %run_scoped3A = tpu.sem_alloc : memref<!tpu.dma_semaphore, #tpu.memory_space<semaphore_mem>>
      %dma_start3A = tpu.memref_slice %arg5[%add3A_62] : memref<98304xf32, #tpu.memory_space<hbm>> -> memref<1024xf32, #tpu.memory_space<hbm>>
      %dma_start3A_77 = tpu.memref_slice %arg5[%add3A_62] : memref<98304xf32, #tpu.memory_space<hbm>> -> memref<1024xf32, #tpu.memory_space<hbm>>
      tpu.enqueue_dma source(%arg11 : memref<1024xf32, #tpu.memory_space<vmem>>) target(%dma_start3A_77 : memref<1024xf32, #tpu.memory_space<hbm>>) target_semaphore(%run_scoped3A : memref<!tpu.dma_semaphore, #tpu.memory_space<semaphore_mem>>)
      %dma_wait3A = tpu.memref_slice %arg5[%add3A_62] : memref<98304xf32, #tpu.memory_space<hbm>> -> memref<1024xf32, #tpu.memory_space<hbm>>
      %dma_wait3A_78 = tpu.memref_slice %arg5[%add3A_62] : memref<98304xf32, #tpu.memory_space<hbm>> -> memref<1024xf32, #tpu.memory_space<hbm>>
      tpu.wait_dma2 semaphore(%run_scoped3A : memref<!tpu.dma_semaphore, #tpu.memory_space<semaphore_mem>>) src(%arg11 : memref<1024xf32, #tpu.memory_space<vmem>>) dst(%dma_wait3A_78 : memref<1024xf32, #tpu.memory_space<hbm>>)
      tpu.yield
    }) : () -> ()
    %mul3A_63 = arith.constant 3 : i32
    %mul3A_64 = arith.muli %select_n3A, %mul3A_63 : i32
    %add3A_65 = arith.constant 1 : i32
    %add3A_66 = arith.addi %mul3A_64, %add3A_65 : i32
    %mul3A_67 = arith.constant 4096 : i32
    %mul3A_68 = arith.muli %add3A_66, %mul3A_67 : i32
    %add3A_69 = arith.addi %mul3A_68, %mul3A_32 : i32
    "tpu.region"() ({
      %run_scoped3A = tpu.sem_alloc : memref<!tpu.dma_semaphore, #tpu.memory_space<semaphore_mem>>
      %dma_start3A = tpu.memref_slice %arg5[%add3A_69] : memref<98304xf32, #tpu.memory_space<hbm>> -> memref<1024xf32, #tpu.memory_space<hbm>>
      %dma_start3A_77 = tpu.memref_slice %arg5[%add3A_69] : memref<98304xf32, #tpu.memory_space<hbm>> -> memref<1024xf32, #tpu.memory_space<hbm>>
      tpu.enqueue_dma source(%arg12 : memref<1024xf32, #tpu.memory_space<vmem>>) target(%dma_start3A_77 : memref<1024xf32, #tpu.memory_space<hbm>>) target_semaphore(%run_scoped3A : memref<!tpu.dma_semaphore, #tpu.memory_space<semaphore_mem>>)
      %dma_wait3A = tpu.memref_slice %arg5[%add3A_69] : memref<98304xf32, #tpu.memory_space<hbm>> -> memref<1024xf32, #tpu.memory_space<hbm>>
      %dma_wait3A_78 = tpu.memref_slice %arg5[%add3A_69] : memref<98304xf32, #tpu.memory_space<hbm>> -> memref<1024xf32, #tpu.memory_space<hbm>>
      tpu.wait_dma2 semaphore(%run_scoped3A : memref<!tpu.dma_semaphore, #tpu.memory_space<semaphore_mem>>) src(%arg12 : memref<1024xf32, #tpu.memory_space<vmem>>) dst(%dma_wait3A_78 : memref<1024xf32, #tpu.memory_space<hbm>>)
      tpu.yield
    }) : () -> ()
    %mul3A_70 = arith.constant 3 : i32
    %mul3A_71 = arith.muli %select_n3A, %mul3A_70 : i32
    %add3A_72 = arith.constant 2 : i32
    %add3A_73 = arith.addi %mul3A_71, %add3A_72 : i32
    %mul3A_74 = arith.constant 4096 : i32
    %mul3A_75 = arith.muli %add3A_73, %mul3A_74 : i32
    %add3A_76 = arith.addi %mul3A_75, %mul3A_32 : i32
    "tpu.region"() ({
      %run_scoped3A = tpu.sem_alloc : memref<!tpu.dma_semaphore, #tpu.memory_space<semaphore_mem>>
      %dma_start3A = tpu.memref_slice %arg5[%add3A_76] : memref<98304xf32, #tpu.memory_space<hbm>> -> memref<1024xf32, #tpu.memory_space<hbm>>
      %dma_start3A_77 = tpu.memref_slice %arg5[%add3A_76] : memref<98304xf32, #tpu.memory_space<hbm>> -> memref<1024xf32, #tpu.memory_space<hbm>>
      tpu.enqueue_dma source(%arg13 : memref<1024xf32, #tpu.memory_space<vmem>>) target(%dma_start3A_77 : memref<1024xf32, #tpu.memory_space<hbm>>) target_semaphore(%run_scoped3A : memref<!tpu.dma_semaphore, #tpu.memory_space<semaphore_mem>>)
      %dma_wait3A = tpu.memref_slice %arg5[%add3A_76] : memref<98304xf32, #tpu.memory_space<hbm>> -> memref<1024xf32, #tpu.memory_space<hbm>>
      %dma_wait3A_78 = tpu.memref_slice %arg5[%add3A_76] : memref<98304xf32, #tpu.memory_space<hbm>> -> memref<1024xf32, #tpu.memory_space<hbm>>
      tpu.wait_dma2 semaphore(%run_scoped3A : memref<!tpu.dma_semaphore, #tpu.memory_space<semaphore_mem>>) src(%arg13 : memref<1024xf32, #tpu.memory_space<vmem>>) dst(%dma_wait3A_78 : memref<1024xf32, #tpu.memory_space<hbm>>)
      tpu.yield
    }) : () -> ()
    return
  }
}

module attributes {stable_mosaic.version = 14 : i64} {
  func.func @_norm_body(%arg0: i32, %arg1: i32, %arg2: memref<1x1x4096x64xf32, #tpu.memory_space<vmem>>, %arg3: memref<1x1x4096x64xf32, #tpu.memory_space<vmem>>) attributes {dimension_semantics = [#tpu.dimension_semantics<arbitrary>, #tpu.dimension_semantics<arbitrary>], iteration_bounds = array<i64: 4, 2>, scalar_prefetch = 0 : i64, scratch_operands = 0 : i64, tpu.core_type = #tpu.core_type<tc>, window_params = [{transform_indices = @transform_0, window_bounds = array<i64: 1, 1, 4096, 64>}, {transform_indices = @transform_1, window_bounds = array<i64: 1, 1, 4096, 64>}]} {
    %get3A = arith.constant 0 : index
    %get3A_0 = arith.constant 0 : index
    %get3A_1 = arith.constant 0 : index
    %get3A_2 = arith.constant 0 : index
    %get3A_3 = vector.load %arg2[%get3A, %get3A_0, %get3A_1, %get3A_2] : memref<1x1x4096x64xf32, #tpu.memory_space<vmem>>, vector<1x1x4096x64xf32>
    %get3A_4 = vector.shape_cast %get3A_3 : vector<1x1x4096x64xf32> to vector<4096x64xf32>
    %mul3A = arith.mulf %get3A_4, %get3A_4 : vector<4096x64xf32>
    %reduce_sum3A = arith.constant dense<0.000000e+00> : vector<4096xf32>
    %reduce_sum3A_5 = vector.multi_reduction <add>, %mul3A, %reduce_sum3A [1] : vector<4096x64xf32> to vector<4096xf32>
    %broadcast_in_dim3A = vector.shape_cast %reduce_sum3A_5 : vector<4096xf32> to vector<4096x1xf32>
    %sqrt3A = math.sqrt %broadcast_in_dim3A : vector<4096x1xf32>
    %div3A = vector.broadcast %sqrt3A : vector<4096x1xf32> to vector<4096x64xf32>
    %div3A_6 = arith.divf %get3A_4, %div3A : vector<4096x64xf32>
    %swap3A = arith.constant 0 : index
    %swap3A_7 = arith.constant 0 : index
    %swap3A_8 = arith.constant 0 : index
    %swap3A_9 = arith.constant 0 : index
    %swap3A_10 = vector.load %arg3[%swap3A, %swap3A_7, %swap3A_8, %swap3A_9] : memref<1x1x4096x64xf32, #tpu.memory_space<vmem>>, vector<1x1x4096x64xf32>
    %swap3A_11 = vector.shape_cast %swap3A_10 : vector<1x1x4096x64xf32> to vector<4096x64xf32>
    %swap3A_12 = vector.shape_cast %div3A_6 : vector<4096x64xf32> to vector<1x1x4096x64xf32>
    tpu.vector_store %arg3[%swap3A, %swap3A_7, %swap3A_8, %swap3A_9], %swap3A_12 {strides = array<i32>} : memref<1x1x4096x64xf32, #tpu.memory_space<vmem>>, vector<1x1x4096x64xf32>,
    return
  }
  func.func @transform_0(%arg0: i32, %arg1: i32) -> (i32, i32, i32, i32) {
    %c0_i32 = arith.constant 0 : i32
    %c0_i32_0 = arith.constant 0 : i32
    %c0_i32_1 = arith.constant 0 : i32
    return %arg0, %arg1, %c0_i32, %c0_i32_0 : i32, i32, i32, i32
  }
  func.func @transform_1(%arg0: i32, %arg1: i32) -> (i32, i32, i32, i32) {
    %c0_i32 = arith.constant 0 : i32
    %c0_i32_0 = arith.constant 0 : i32
    %c0_i32_1 = arith.constant 0 : i32
    return %arg0, %arg1, %c0_i32, %c0_i32_0 : i32, i32, i32, i32
  }
}

module attributes {stable_mosaic.version = 14 : i64} {
  func.func @_tc_body(%arg0: i32, %arg1: i32, %arg2: i32, %arg3: memref<1x256x64xf32, #tpu.memory_space<vmem>>, %arg4: memref<1x1x4096x64xf32, #tpu.memory_space<vmem>>, %arg5: memref<1x1x16x256xf32, #tpu.memory_space<vmem>>, %arg6: memref<1x1x16x256xi32, #tpu.memory_space<vmem>>) attributes {dimension_semantics = [#tpu.dimension_semantics<parallel>, #tpu.dimension_semantics<parallel>, #tpu.dimension_semantics<parallel>], iteration_bounds = array<i64: 4, 2, 16>, scalar_prefetch = 0 : i64, scratch_operands = 0 : i64, tpu.core_type = #tpu.core_type<tc>, window_params = [{transform_indices = @transform_0, window_bounds = array<i64: 1, 256, 64>}, {transform_indices = @transform_1, window_bounds = array<i64: 1, 1, 4096, 64>}, {transform_indices = @transform_2, window_bounds = array<i64: 1, 1, 16, 256>}, {transform_indices = @transform_3, window_bounds = array<i64: 1, 1, 16, 256>}]} {
    %get3A = arith.constant 0 : index
    %get3A_0 = arith.constant 0 : index
    %get3A_1 = arith.constant 0 : index
    %get3A_2 = vector.load %arg3[%get3A, %get3A_0, %get3A_1] : memref<1x256x64xf32, #tpu.memory_space<vmem>>, vector<1x256x64xf32>
    %get3A_3 = vector.shape_cast %get3A_2 : vector<1x256x64xf32> to vector<256x64xf32>
    %get3A_4 = arith.constant 0 : index
    %get3A_5 = arith.constant 0 : index
    %get3A_6 = arith.constant 0 : index
    %get3A_7 = arith.constant 0 : index
    %get3A_8 = vector.load %arg4[%get3A_4, %get3A_5, %get3A_6, %get3A_7] : memref<1x1x4096x64xf32, #tpu.memory_space<vmem>>, vector<1x1x4096x64xf32>
    %get3A_9 = vector.shape_cast %get3A_8 : vector<1x1x4096x64xf32> to vector<4096x64xf32>
    %dot_general3A = arith.constant dense<0.000000e+00> : vector<256x4096xf32>
    %dot_general3A_10 = tpu.matmul %get3A_3, %get3A_9, %dot_general3A {dimension_numbers = #tpu.dot_dimension_numbers<[1], [1], [0], [0], [0, 0, 1, 0], [], []>, transpose_lhs_hint = false} : vector<256x64xf32>, vector<4096x64xf32>, vector<256x4096xf32> -> vector<256x4096xf32>
    %iota3A = tpu.iota {dimensions = array<i32: 1>} : vector<1x4096xi32>
    %convert_element_type3A = arith.sitofp %iota3A : vector<1x4096xi32> to vector<1x4096xf32>
    %broadcast_in_dim3A = vector.shape_cast %convert_element_type3A : vector<1x4096xf32> to vector<1x4096xf32>
    %broadcast_in_dim3A_11 = vector.broadcast %broadcast_in_dim3A : vector<1x4096xf32> to vector<256x4096xf32>
    %reduce_max3A = arith.constant dense<0xFF800000> : vector<256xf32>
    %reduce_max3A_12 = vector.multi_reduction <maximumf>, %dot_general3A_10, %reduce_max3A [1] : vector<256x4096xf32> to vector<256xf32>
    %broadcast_in_dim3A_13 = arith.constant 0.000000e+00 : f32
    %broadcast_in_dim3A_14 = vector.broadcast %broadcast_in_dim3A_13 : f32 to vector<256xf32>
    %reduce_max3A_15 = arith.constant dense<0xFF800000> : vector<256xf32>
    %reduce_max3A_16 = vector.multi_reduction <maximumf>, %dot_general3A_10, %reduce_max3A_15 [1] : vector<256x4096xf32> to vector<256xf32>
    %sub3A = arith.subf %reduce_max3A_16, %reduce_max3A_12 : vector<256xf32>
    %exp3A = math.exp %sub3A : vector<256xf32>
    %broadcast_in_dim3A_17 = vector.shape_cast %reduce_max3A_16 : vector<256xf32> to vector<256x1xf32>
    %eq3A = vector.broadcast %broadcast_in_dim3A_17 : vector<256x1xf32> to vector<256x4096xf32>
    %eq3A_18 = arith.cmpf oeq, %dot_general3A_10, %eq3A : vector<256x4096xf32>
    %jit3A = arith.constant 4.096000e+03 : f32
    %broadcast_in_dim3A_19 = vector.broadcast %jit3A : f32 to vector<256x4096xf32>
    %select_n3A = arith.select %eq3A_18, %broadcast_in_dim3A_11, %broadcast_in_dim3A_19 : vector<256x4096xi1>, vector<256x4096xf32>
    %reduce_min3A = arith.constant dense<0x7F800000> : vector<256xf32>
    %reduce_min3A_20 = vector.multi_reduction <minimumf>, %select_n3A, %reduce_min3A [1] : vector<256x4096xf32> to vector<256xf32>
    %broadcast_in_dim3A_21 = vector.shape_cast %reduce_min3A_20 : vector<256xf32> to vector<256x1xf32>
    %eq3A_22 = vector.broadcast %broadcast_in_dim3A_21 : vector<256x1xf32> to vector<256x4096xf32>
    %eq3A_23 = arith.cmpf oeq, %broadcast_in_dim3A_11, %eq3A_22 : vector<256x4096xf32>
    %jit3A_24 = arith.constant 0xFF800000 : f32
    %broadcast_in_dim3A_25 = vector.broadcast %jit3A_24 : f32 to vector<256x4096xf32>
    %select_n3A_26 = arith.select %eq3A_23, %broadcast_in_dim3A_25, %dot_general3A_10 : vector<256x4096xi1>, vector<256x4096xf32>
    %add3A = arith.addf %broadcast_in_dim3A_14, %exp3A : vector<256xf32>
    %reduce_max3A_27 = arith.constant dense<0xFF800000> : vector<256xf32>
    %reduce_max3A_28 = vector.multi_reduction <maximumf>, %select_n3A_26, %reduce_max3A_27 [1] : vector<256x4096xf32> to vector<256xf32>
    %sub3A_29 = arith.subf %reduce_max3A_28, %reduce_max3A_12 : vector<256xf32>
    %exp3A_30 = math.exp %sub3A_29 : vector<256xf32>
    %broadcast_in_dim3A_31 = vector.shape_cast %reduce_max3A_28 : vector<256xf32> to vector<256x1xf32>
    %eq3A_32 = vector.broadcast %broadcast_in_dim3A_31 : vector<256x1xf32> to vector<256x4096xf32>
    %eq3A_33 = arith.cmpf oeq, %select_n3A_26, %eq3A_32 : vector<256x4096xf32>
    %jit3A_34 = arith.constant 4.096000e+03 : f32
    %broadcast_in_dim3A_35 = vector.broadcast %jit3A_34 : f32 to vector<256x4096xf32>
    %select_n3A_36 = arith.select %eq3A_33, %broadcast_in_dim3A_11, %broadcast_in_dim3A_35 : vector<256x4096xi1>, vector<256x4096xf32>
    %reduce_min3A_37 = arith.constant dense<0x7F800000> : vector<256xf32>
    %reduce_min3A_38 = vector.multi_reduction <minimumf>, %select_n3A_36, %reduce_min3A_37 [1] : vector<256x4096xf32> to vector<256xf32>
    %broadcast_in_dim3A_39 = vector.shape_cast %reduce_min3A_38 : vector<256xf32> to vector<256x1xf32>
    %eq3A_40 = vector.broadcast %broadcast_in_dim3A_39 : vector<256x1xf32> to vector<256x4096xf32>
    %eq3A_41 = arith.cmpf oeq, %broadcast_in_dim3A_11, %eq3A_40 : vector<256x4096xf32>
    %jit3A_42 = arith.constant 0xFF800000 : f32
    %broadcast_in_dim3A_43 = vector.broadcast %jit3A_42 : f32 to vector<256x4096xf32>
    %select_n3A_44 = arith.select %eq3A_41, %broadcast_in_dim3A_43, %select_n3A_26 : vector<256x4096xi1>, vector<256x4096xf32>
    %add3A_45 = arith.addf %add3A, %exp3A_30 : vector<256xf32>
    %reduce_max3A_46 = arith.constant dense<0xFF800000> : vector<256xf32>
    %reduce_max3A_47 = vector.multi_reduction <maximumf>, %select_n3A_44, %reduce_max3A_46 [1] : vector<256x4096xf32> to vector<256xf32>
    %sub3A_48 = arith.subf %reduce_max3A_47, %reduce_max3A_12 : vector<256xf32>
    %exp3A_49 = math.exp %sub3A_48 : vector<256xf32>
    %broadcast_in_dim3A_50 = vector.shape_cast %reduce_max3A_47 : vector<256xf32> to vector<256x1xf32>
    %eq3A_51 = vector.broadcast %broadcast_in_dim3A_50 : vector<256x1xf32> to vector<256x4096xf32>
    %eq3A_52 = arith.cmpf oeq, %select_n3A_44, %eq3A_51 : vector<256x4096xf32>
    %jit3A_53 = arith.constant 4.096000e+03 : f32
    %broadcast_in_dim3A_54 = vector.broadcast %jit3A_53 : f32 to vector<256x4096xf32>
    %select_n3A_55 = arith.select %eq3A_52, %broadcast_in_dim3A_11, %broadcast_in_dim3A_54 : vector<256x4096xi1>, vector<256x4096xf32>
    %reduce_min3A_56 = arith.constant dense<0x7F800000> : vector<256xf32>
    %reduce_min3A_57 = vector.multi_reduction <minimumf>, %select_n3A_55, %reduce_min3A_56 [1] : vector<256x4096xf32> to vector<256xf32>
    %broadcast_in_dim3A_58 = vector.shape_cast %reduce_min3A_57 : vector<256xf32> to vector<256x1xf32>
    %eq3A_59 = vector.broadcast %broadcast_in_dim3A_58 : vector<256x1xf32> to vector<256x4096xf32>
    %eq3A_60 = arith.cmpf oeq, %broadcast_in_dim3A_11, %eq3A_59 : vector<256x4096xf32>
    %jit3A_61 = arith.constant 0xFF800000 : f32
    %broadcast_in_dim3A_62 = vector.broadcast %jit3A_61 : f32 to vector<256x4096xf32>
    %select_n3A_63 = arith.select %eq3A_60, %broadcast_in_dim3A_62, %select_n3A_44 : vector<256x4096xi1>, vector<256x4096xf32>
    %add3A_64 = arith.addf %add3A_45, %exp3A_49 : vector<256xf32>
    %reduce_max3A_65 = arith.constant dense<0xFF800000> : vector<256xf32>
    %reduce_max3A_66 = vector.multi_reduction <maximumf>, %select_n3A_63, %reduce_max3A_65 [1] : vector<256x4096xf32> to vector<256xf32>
    %sub3A_67 = arith.subf %reduce_max3A_66, %reduce_max3A_12 : vector<256xf32>
    %exp3A_68 = math.exp %sub3A_67 : vector<256xf32>
    %broadcast_in_dim3A_69 = vector.shape_cast %reduce_max3A_66 : vector<256xf32> to vector<256x1xf32>
    %eq3A_70 = vector.broadcast %broadcast_in_dim3A_69 : vector<256x1xf32> to vector<256x4096xf32>
    %eq3A_71 = arith.cmpf oeq, %select_n3A_63, %eq3A_70 : vector<256x4096xf32>
    %jit3A_72 = arith.constant 4.096000e+03 : f32
    %broadcast_in_dim3A_73 = vector.broadcast %jit3A_72 : f32 to vector<256x4096xf32>
    %select_n3A_74 = arith.select %eq3A_71, %broadcast_in_dim3A_11, %broadcast_in_dim3A_73 : vector<256x4096xi1>, vector<256x4096xf32>
    %reduce_min3A_75 = arith.constant dense<0x7F800000> : vector<256xf32>
    %reduce_min3A_76 = vector.multi_reduction <minimumf>, %select_n3A_74, %reduce_min3A_75 [1] : vector<256x4096xf32> to vector<256xf32>
    %broadcast_in_dim3A_77 = vector.shape_cast %reduce_min3A_76 : vector<256xf32> to vector<256x1xf32>
    %eq3A_78 = vector.broadcast %broadcast_in_dim3A_77 : vector<256x1xf32> to vector<256x4096xf32>
    %eq3A_79 = arith.cmpf oeq, %broadcast_in_dim3A_11, %eq3A_78 : vector<256x4096xf32>
    %jit3A_80 = arith.constant 0xFF800000 : f32
    %broadcast_in_dim3A_81 = vector.broadcast %jit3A_80 : f32 to vector<256x4096xf32>
    %select_n3A_82 = arith.select %eq3A_79, %broadcast_in_dim3A_81, %select_n3A_63 : vector<256x4096xi1>, vector<256x4096xf32>
    %add3A_83 = arith.addf %add3A_64, %exp3A_68 : vector<256xf32>
    %reduce_max3A_84 = arith.constant dense<0xFF800000> : vector<256xf32>
    %reduce_max3A_85 = vector.multi_reduction <maximumf>, %select_n3A_82, %reduce_max3A_84 [1] : vector<256x4096xf32> to vector<256xf32>
    %sub3A_86 = arith.subf %reduce_max3A_85, %reduce_max3A_12 : vector<256xf32>
    %exp3A_87 = math.exp %sub3A_86 : vector<256xf32>
    %broadcast_in_dim3A_88 = vector.shape_cast %reduce_max3A_85 : vector<256xf32> to vector<256x1xf32>
    %eq3A_89 = vector.broadcast %broadcast_in_dim3A_88 : vector<256x1xf32> to vector<256x4096xf32>
    %eq3A_90 = arith.cmpf oeq, %select_n3A_82, %eq3A_89 : vector<256x4096xf32>
    %jit3A_91 = arith.constant 4.096000e+03 : f32
    %broadcast_in_dim3A_92 = vector.broadcast %jit3A_91 : f32 to vector<256x4096xf32>
    %select_n3A_93 = arith.select %eq3A_90, %broadcast_in_dim3A_11, %broadcast_in_dim3A_92 : vector<256x4096xi1>, vector<256x4096xf32>
    %reduce_min3A_94 = arith.constant dense<0x7F800000> : vector<256xf32>
    %reduce_min3A_95 = vector.multi_reduction <minimumf>, %select_n3A_93, %reduce_min3A_94 [1] : vector<256x4096xf32> to vector<256xf32>
    %broadcast_in_dim3A_96 = vector.shape_cast %reduce_min3A_95 : vector<256xf32> to vector<256x1xf32>
    %eq3A_97 = vector.broadcast %broadcast_in_dim3A_96 : vector<256x1xf32> to vector<256x4096xf32>
    %eq3A_98 = arith.cmpf oeq, %broadcast_in_dim3A_11, %eq3A_97 : vector<256x4096xf32>
    %jit3A_99 = arith.constant 0xFF800000 : f32
    %broadcast_in_dim3A_100 = vector.broadcast %jit3A_99 : f32 to vector<256x4096xf32>
    %select_n3A_101 = arith.select %eq3A_98, %broadcast_in_dim3A_100, %select_n3A_82 : vector<256x4096xi1>, vector<256x4096xf32>
    %add3A_102 = arith.addf %add3A_83, %exp3A_87 : vector<256xf32>
    %reduce_max3A_103 = arith.constant dense<0xFF800000> : vector<256xf32>
    %reduce_max3A_104 = vector.multi_reduction <maximumf>, %select_n3A_101, %reduce_max3A_103 [1] : vector<256x4096xf32> to vector<256xf32>
    %sub3A_105 = arith.subf %reduce_max3A_104, %reduce_max3A_12 : vector<256xf32>
    %exp3A_106 = math.exp %sub3A_105 : vector<256xf32>
    %broadcast_in_dim3A_107 = vector.shape_cast %reduce_max3A_104 : vector<256xf32> to vector<256x1xf32>
    %eq3A_108 = vector.broadcast %broadcast_in_dim3A_107 : vector<256x1xf32> to vector<256x4096xf32>
    %eq3A_109 = arith.cmpf oeq, %select_n3A_101, %eq3A_108 : vector<256x4096xf32>
    %jit3A_110 = arith.constant 4.096000e+03 : f32
    %broadcast_in_dim3A_111 = vector.broadcast %jit3A_110 : f32 to vector<256x4096xf32>
    %select_n3A_112 = arith.select %eq3A_109, %broadcast_in_dim3A_11, %broadcast_in_dim3A_111 : vector<256x4096xi1>, vector<256x4096xf32>
    %reduce_min3A_113 = arith.constant dense<0x7F800000> : vector<256xf32>
    %reduce_min3A_114 = vector.multi_reduction <minimumf>, %select_n3A_112, %reduce_min3A_113 [1] : vector<256x4096xf32> to vector<256xf32>
    %broadcast_in_dim3A_115 = vector.shape_cast %reduce_min3A_114 : vector<256xf32> to vector<256x1xf32>
    %eq3A_116 = vector.broadcast %broadcast_in_dim3A_115 : vector<256x1xf32> to vector<256x4096xf32>
    %eq3A_117 = arith.cmpf oeq, %broadcast_in_dim3A_11, %eq3A_116 : vector<256x4096xf32>
    %jit3A_118 = arith.constant 0xFF800000 : f32
    %broadcast_in_dim3A_119 = vector.broadcast %jit3A_118 : f32 to vector<256x4096xf32>
    %select_n3A_120 = arith.select %eq3A_117, %broadcast_in_dim3A_119, %select_n3A_101 : vector<256x4096xi1>, vector<256x4096xf32>
    %add3A_121 = arith.addf %add3A_102, %exp3A_106 : vector<256xf32>
    %reduce_max3A_122 = arith.constant dense<0xFF800000> : vector<256xf32>
    %reduce_max3A_123 = vector.multi_reduction <maximumf>, %select_n3A_120, %reduce_max3A_122 [1] : vector<256x4096xf32> to vector<256xf32>
    %sub3A_124 = arith.subf %reduce_max3A_123, %reduce_max3A_12 : vector<256xf32>
    %exp3A_125 = math.exp %sub3A_124 : vector<256xf32>
    %broadcast_in_dim3A_126 = vector.shape_cast %reduce_max3A_123 : vector<256xf32> to vector<256x1xf32>
    %eq3A_127 = vector.broadcast %broadcast_in_dim3A_126 : vector<256x1xf32> to vector<256x4096xf32>
    %eq3A_128 = arith.cmpf oeq, %select_n3A_120, %eq3A_127 : vector<256x4096xf32>
    %jit3A_129 = arith.constant 4.096000e+03 : f32
    %broadcast_in_dim3A_130 = vector.broadcast %jit3A_129 : f32 to vector<256x4096xf32>
    %select_n3A_131 = arith.select %eq3A_128, %broadcast_in_dim3A_11, %broadcast_in_dim3A_130 : vector<256x4096xi1>, vector<256x4096xf32>
    %reduce_min3A_132 = arith.constant dense<0x7F800000> : vector<256xf32>
    %reduce_min3A_133 = vector.multi_reduction <minimumf>, %select_n3A_131, %reduce_min3A_132 [1] : vector<256x4096xf32> to vector<256xf32>
    %broadcast_in_dim3A_134 = vector.shape_cast %reduce_min3A_133 : vector<256xf32> to vector<256x1xf32>
    %eq3A_135 = vector.broadcast %broadcast_in_dim3A_134 : vector<256x1xf32> to vector<256x4096xf32>
    %eq3A_136 = arith.cmpf oeq, %broadcast_in_dim3A_11, %eq3A_135 : vector<256x4096xf32>
    %jit3A_137 = arith.constant 0xFF800000 : f32
    %broadcast_in_dim3A_138 = vector.broadcast %jit3A_137 : f32 to vector<256x4096xf32>
    %select_n3A_139 = arith.select %eq3A_136, %broadcast_in_dim3A_138, %select_n3A_120 : vector<256x4096xi1>, vector<256x4096xf32>
    %add3A_140 = arith.addf %add3A_121, %exp3A_125 : vector<256xf32>
    %reduce_max3A_141 = arith.constant dense<0xFF800000> : vector<256xf32>
    %reduce_max3A_142 = vector.multi_reduction <maximumf>, %select_n3A_139, %reduce_max3A_141 [1] : vector<256x4096xf32> to vector<256xf32>
    %sub3A_143 = arith.subf %reduce_max3A_142, %reduce_max3A_12 : vector<256xf32>
    %exp3A_144 = math.exp %sub3A_143 : vector<256xf32>
    %broadcast_in_dim3A_145 = vector.shape_cast %reduce_max3A_142 : vector<256xf32> to vector<256x1xf32>
    %eq3A_146 = vector.broadcast %broadcast_in_dim3A_145 : vector<256x1xf32> to vector<256x4096xf32>
    %eq3A_147 = arith.cmpf oeq, %select_n3A_139, %eq3A_146 : vector<256x4096xf32>
    %jit3A_148 = arith.constant 4.096000e+03 : f32
    %broadcast_in_dim3A_149 = vector.broadcast %jit3A_148 : f32 to vector<256x4096xf32>
    %select_n3A_150 = arith.select %eq3A_147, %broadcast_in_dim3A_11, %broadcast_in_dim3A_149 : vector<256x4096xi1>, vector<256x4096xf32>
    %reduce_min3A_151 = arith.constant dense<0x7F800000> : vector<256xf32>
    %reduce_min3A_152 = vector.multi_reduction <minimumf>, %select_n3A_150, %reduce_min3A_151 [1] : vector<256x4096xf32> to vector<256xf32>
    %broadcast_in_dim3A_153 = vector.shape_cast %reduce_min3A_152 : vector<256xf32> to vector<256x1xf32>
    %eq3A_154 = vector.broadcast %broadcast_in_dim3A_153 : vector<256x1xf32> to vector<256x4096xf32>
    %eq3A_155 = arith.cmpf oeq, %broadcast_in_dim3A_11, %eq3A_154 : vector<256x4096xf32>
    %jit3A_156 = arith.constant 0xFF800000 : f32
    %broadcast_in_dim3A_157 = vector.broadcast %jit3A_156 : f32 to vector<256x4096xf32>
    %select_n3A_158 = arith.select %eq3A_155, %broadcast_in_dim3A_157, %select_n3A_139 : vector<256x4096xi1>, vector<256x4096xf32>
    %add3A_159 = arith.addf %add3A_140, %exp3A_144 : vector<256xf32>
    %reduce_max3A_160 = arith.constant dense<0xFF800000> : vector<256xf32>
    %reduce_max3A_161 = vector.multi_reduction <maximumf>, %select_n3A_158, %reduce_max3A_160 [1] : vector<256x4096xf32> to vector<256xf32>
    %sub3A_162 = arith.subf %reduce_max3A_161, %reduce_max3A_12 : vector<256xf32>
    %exp3A_163 = math.exp %sub3A_162 : vector<256xf32>
    %broadcast_in_dim3A_164 = vector.shape_cast %reduce_max3A_161 : vector<256xf32> to vector<256x1xf32>
    %eq3A_165 = vector.broadcast %broadcast_in_dim3A_164 : vector<256x1xf32> to vector<256x4096xf32>
    %eq3A_166 = arith.cmpf oeq, %select_n3A_158, %eq3A_165 : vector<256x4096xf32>
    %jit3A_167 = arith.constant 4.096000e+03 : f32
    %broadcast_in_dim3A_168 = vector.broadcast %jit3A_167 : f32 to vector<256x4096xf32>
    %select_n3A_169 = arith.select %eq3A_166, %broadcast_in_dim3A_11, %broadcast_in_dim3A_168 : vector<256x4096xi1>, vector<256x4096xf32>
    %reduce_min3A_170 = arith.constant dense<0x7F800000> : vector<256xf32>
    %reduce_min3A_171 = vector.multi_reduction <minimumf>, %select_n3A_169, %reduce_min3A_170 [1] : vector<256x4096xf32> to vector<256xf32>
    %broadcast_in_dim3A_172 = vector.shape_cast %reduce_min3A_171 : vector<256xf32> to vector<256x1xf32>
    %eq3A_173 = vector.broadcast %broadcast_in_dim3A_172 : vector<256x1xf32> to vector<256x4096xf32>
    %eq3A_174 = arith.cmpf oeq, %broadcast_in_dim3A_11, %eq3A_173 : vector<256x4096xf32>
    %jit3A_175 = arith.constant 0xFF800000 : f32
    %broadcast_in_dim3A_176 = vector.broadcast %jit3A_175 : f32 to vector<256x4096xf32>
    %select_n3A_177 = arith.select %eq3A_174, %broadcast_in_dim3A_176, %select_n3A_158 : vector<256x4096xi1>, vector<256x4096xf32>
    %add3A_178 = arith.addf %add3A_159, %exp3A_163 : vector<256xf32>
    %reduce_max3A_179 = arith.constant dense<0xFF800000> : vector<256xf32>
    %reduce_max3A_180 = vector.multi_reduction <maximumf>, %select_n3A_177, %reduce_max3A_179 [1] : vector<256x4096xf32> to vector<256xf32>
    %sub3A_181 = arith.subf %reduce_max3A_180, %reduce_max3A_12 : vector<256xf32>
    %exp3A_182 = math.exp %sub3A_181 : vector<256xf32>
    %broadcast_in_dim3A_183 = vector.shape_cast %reduce_max3A_180 : vector<256xf32> to vector<256x1xf32>
    %eq3A_184 = vector.broadcast %broadcast_in_dim3A_183 : vector<256x1xf32> to vector<256x4096xf32>
    %eq3A_185 = arith.cmpf oeq, %select_n3A_177, %eq3A_184 : vector<256x4096xf32>
    %jit3A_186 = arith.constant 4.096000e+03 : f32
    %broadcast_in_dim3A_187 = vector.broadcast %jit3A_186 : f32 to vector<256x4096xf32>
    %select_n3A_188 = arith.select %eq3A_185, %broadcast_in_dim3A_11, %broadcast_in_dim3A_187 : vector<256x4096xi1>, vector<256x4096xf32>
    %reduce_min3A_189 = arith.constant dense<0x7F800000> : vector<256xf32>
    %reduce_min3A_190 = vector.multi_reduction <minimumf>, %select_n3A_188, %reduce_min3A_189 [1] : vector<256x4096xf32> to vector<256xf32>
    %add3A_191 = arith.addf %add3A_178, %exp3A_182 : vector<256xf32>
    %div3A = arith.constant 1.000000e+00 : f32
    %div3A_192 = vector.broadcast %div3A : f32 to vector<256xf32>
    %div3A_193 = arith.divf %div3A_192, %add3A_191 : vector<256xf32>
    %mul3A = arith.mulf %exp3A, %div3A_193 : vector<256xf32>
    %mul3A_194 = arith.mulf %exp3A_30, %div3A_193 : vector<256xf32>
    %mul3A_195 = arith.mulf %exp3A_49, %div3A_193 : vector<256xf32>
    %mul3A_196 = arith.mulf %exp3A_68, %div3A_193 : vector<256xf32>
    %mul3A_197 = arith.mulf %exp3A_87, %div3A_193 : vector<256xf32>
    %mul3A_198 = arith.mulf %exp3A_106, %div3A_193 : vector<256xf32>
    %mul3A_199 = arith.mulf %exp3A_125, %div3A_193 : vector<256xf32>
    %mul3A_200 = arith.mulf %exp3A_144, %div3A_193 : vector<256xf32>
    %mul3A_201 = arith.mulf %exp3A_163, %div3A_193 : vector<256xf32>
    %mul3A_202 = arith.mulf %exp3A_182, %div3A_193 : vector<256xf32>
    %broadcast_in_dim3A_203 = arith.constant 0.000000e+00 : f32
    %broadcast_in_dim3A_204 = vector.broadcast %broadcast_in_dim3A_203 : f32 to vector<256xf32>
    %stack3A = vector.shape_cast %mul3A : vector<256xf32> to vector<1x256xf32>
    %stack3A_205 = vector.shape_cast %mul3A_194 : vector<256xf32> to vector<1x256xf32>
    %stack3A_206 = vector.shape_cast %mul3A_195 : vector<256xf32> to vector<1x256xf32>
    %stack3A_207 = vector.shape_cast %mul3A_196 : vector<256xf32> to vector<1x256xf32>
    %stack3A_208 = vector.shape_cast %mul3A_197 : vector<256xf32> to vector<1x256xf32>
    %stack3A_209 = vector.shape_cast %mul3A_198 : vector<256xf32> to vector<1x256xf32>
    %stack3A_210 = vector.shape_cast %mul3A_199 : vector<256xf32> to vector<1x256xf32>
    %stack3A_211 = vector.shape_cast %mul3A_200 : vector<256xf32> to vector<1x256xf32>
    %stack3A_212 = vector.shape_cast %mul3A_201 : vector<256xf32> to vector<1x256xf32>
    %stack3A_213 = vector.shape_cast %mul3A_202 : vector<256xf32> to vector<1x256xf32>
    %stack3A_214 = vector.shape_cast %broadcast_in_dim3A_204 : vector<256xf32> to vector<1x256xf32>
    %stack3A_215 = vector.shape_cast %broadcast_in_dim3A_204 : vector<256xf32> to vector<1x256xf32>
    %stack3A_216 = vector.shape_cast %broadcast_in_dim3A_204 : vector<256xf32> to vector<1x256xf32>
    %stack3A_217 = vector.shape_cast %broadcast_in_dim3A_204 : vector<256xf32> to vector<1x256xf32>
    %stack3A_218 = vector.shape_cast %broadcast_in_dim3A_204 : vector<256xf32> to vector<1x256xf32>
    %stack3A_219 = vector.shape_cast %broadcast_in_dim3A_204 : vector<256xf32> to vector<1x256xf32>
    %stack3A_220 = tpu.concatenate %stack3A, %stack3A_205, %stack3A_206, %stack3A_207, %stack3A_208, %stack3A_209, %stack3A_210, %stack3A_211, %stack3A_212, %stack3A_213, %stack3A_214, %stack3A_215, %stack3A_216, %stack3A_217, %stack3A_218, %stack3A_219 in 0 : vector<1x256xf32>, vector<1x256xf32>, vector<1x256xf32>, vector<1x256xf32>, vector<1x256xf32>, vector<1x256xf32>, vector<1x256xf32>, vector<1x256xf32>, vector<1x256xf32>, vector<1x256xf32>, vector<1x256xf32>, vector<1x256xf32>, vector<1x256xf32>, vector<1x256xf32>, vector<1x256xf32>, vector<1x256xf32> -> vector<16x256xf32>
    %broadcast_in_dim3A_221 = arith.constant 0.000000e+00 : f32
    %broadcast_in_dim3A_222 = vector.broadcast %broadcast_in_dim3A_221 : f32 to vector<256xf32>
    %stack3A_223 = vector.shape_cast %reduce_min3A_20 : vector<256xf32> to vector<1x256xf32>
    %stack3A_224 = vector.shape_cast %reduce_min3A_38 : vector<256xf32> to vector<1x256xf32>
    %stack3A_225 = vector.shape_cast %reduce_min3A_57 : vector<256xf32> to vector<1x256xf32>
    %stack3A_226 = vector.shape_cast %reduce_min3A_76 : vector<256xf32> to vector<1x256xf32>
    %stack3A_227 = vector.shape_cast %reduce_min3A_95 : vector<256xf32> to vector<1x256xf32>
    %stack3A_228 = vector.shape_cast %reduce_min3A_114 : vector<256xf32> to vector<1x256xf32>
    %stack3A_229 = vector.shape_cast %reduce_min3A_133 : vector<256xf32> to vector<1x256xf32>
    %stack3A_230 = vector.shape_cast %reduce_min3A_152 : vector<256xf32> to vector<1x256xf32>
    %stack3A_231 = vector.shape_cast %reduce_min3A_171 : vector<256xf32> to vector<1x256xf32>
    %stack3A_232 = vector.shape_cast %reduce_min3A_190 : vector<256xf32> to vector<1x256xf32>
    %stack3A_233 = vector.shape_cast %broadcast_in_dim3A_222 : vector<256xf32> to vector<1x256xf32>
    %stack3A_234 = vector.shape_cast %broadcast_in_dim3A_222 : vector<256xf32> to vector<1x256xf32>
    %stack3A_235 = vector.shape_cast %broadcast_in_dim3A_222 : vector<256xf32> to vector<1x256xf32>
    %stack3A_236 = vector.shape_cast %broadcast_in_dim3A_222 : vector<256xf32> to vector<1x256xf32>
    %stack3A_237 = vector.shape_cast %broadcast_in_dim3A_222 : vector<256xf32> to vector<1x256xf32>
    %stack3A_238 = vector.shape_cast %broadcast_in_dim3A_222 : vector<256xf32> to vector<1x256xf32>
    %stack3A_239 = tpu.concatenate %stack3A_223, %stack3A_224, %stack3A_225, %stack3A_226, %stack3A_227, %stack3A_228, %stack3A_229, %stack3A_230, %stack3A_231, %stack3A_232, %stack3A_233, %stack3A_234, %stack3A_235, %stack3A_236, %stack3A_237, %stack3A_238 in 0 : vector<1x256xf32>, vector<1x256xf32>, vector<1x256xf32>, vector<1x256xf32>, vector<1x256xf32>, vector<1x256xf32>, vector<1x256xf32>, vector<1x256xf32>, vector<1x256xf32>, vector<1x256xf32>, vector<1x256xf32>, vector<1x256xf32>, vector<1x256xf32>, vector<1x256xf32>, vector<1x256xf32>, vector<1x256xf32> -> vector<16x256xf32>
    %convert_element_type3A_240 = arith.fptosi %stack3A_239 : vector<16x256xf32> to vector<16x256xi32>
    %swap3A = arith.constant 0 : index
    %swap3A_241 = arith.constant 0 : index
    %swap3A_242 = arith.constant 0 : index
    %swap3A_243 = arith.constant 0 : index
    %swap3A_244 = vector.load %arg5[%swap3A, %swap3A_241, %swap3A_242, %swap3A_243] : memref<1x1x16x256xf32, #tpu.memory_space<vmem>>, vector<1x1x16x256xf32>
    %swap3A_245 = vector.shape_cast %swap3A_244 : vector<1x1x16x256xf32> to vector<16x256xf32>
    %swap3A_246 = vector.shape_cast %stack3A_220 : vector<16x256xf32> to vector<1x1x16x256xf32>
    tpu.vector_store %arg5[%swap3A, %swap3A_241, %swap3A_242, %swap3A_243], %swap3A_246 {strides = array<i32>} : memref<1x1x16x256xf32, #tpu.memory_space<vmem>>, vector<1x1x16x256xf32>,
    %swap3A_247 = arith.constant 0 : index
    %swap3A_248 = arith.constant 0 : index
    %swap3A_249 = arith.constant 0 : index
    %swap3A_250 = arith.constant 0 : index
    %swap3A_251 = vector.load %arg6[%swap3A_247, %swap3A_248, %swap3A_249, %swap3A_250] : memref<1x1x16x256xi32, #tpu.memory_space<vmem>>, vector<1x1x16x256xi32>
    %swap3A_252 = vector.shape_cast %swap3A_251 : vector<1x1x16x256xi32> to vector<16x256xi32>
    %swap3A_253 = vector.shape_cast %convert_element_type3A_240 : vector<16x256xi32> to vector<1x1x16x256xi32>
    tpu.vector_store %arg6[%swap3A_247, %swap3A_248, %swap3A_249, %swap3A_250], %swap3A_253 {strides = array<i32>} : memref<1x1x16x256xi32, #tpu.memory_space<vmem>>, vector<1x1x16x256xi32>,
    return
  }
  func.func @transform_0(%arg0: i32, %arg1: i32, %arg2: i32) -> (i32, i32, i32) {
    %mul3A = arith.constant 16 : i32
    %mul3A_0 = arith.muli %arg1, %mul3A : i32
    %add3A = arith.addi %mul3A_0, %arg2 : i32
    %c0_i32 = arith.constant 0 : i32
    %c0_i32_1 = arith.constant 0 : i32
    return %arg0, %add3A, %c0_i32 : i32, i32, i32
  }
  func.func @transform_1(%arg0: i32, %arg1: i32, %arg2: i32) -> (i32, i32, i32, i32) {
    %c0_i32 = arith.constant 0 : i32
    %c0_i32_0 = arith.constant 0 : i32
    %c0_i32_1 = arith.constant 0 : i32
    return %arg0, %arg1, %c0_i32, %c0_i32_0 : i32, i32, i32, i32
  }
  func.func @transform_2(%arg0: i32, %arg1: i32, %arg2: i32) -> (i32, i32, i32, i32) {
    %c0_i32 = arith.constant 0 : i32
    %c0_i32_0 = arith.constant 0 : i32
    return %arg0, %arg1, %c0_i32, %arg2 : i32, i32, i32, i32
  }
  func.func @transform_3(%arg0: i32, %arg1: i32, %arg2: i32) -> (i32, i32, i32, i32) {
    %c0_i32 = arith.constant 0 : i32
    %c0_i32_0 = arith.constant 0 : i32
    return %arg0, %arg1, %c0_i32, %arg2 : i32, i32, i32, i32
  }
}

</mosaic_0001>

<sc_bundles>
// kernel: kernel.5.cloned.1.call-start
scs
__scs_entry_jumppad:
0x0: {  	(pc) =	sbr.rel $0x88, $3  }
0x1: {  	(tag) =	ssettag $0x0;
	lr =	simm.s32 $0x1  }
0x2: {  	[smem:$0x3F9D] =	sst lr;
	_ =	strace $0xD0000000  }
0x3: {  	_ = 	snop  }
0x4: {  	_ = 	snop  }
0x5: {  	_ = 	snop  }
0x6: {  	_ = 	snop  }
0x7: {  	_ = 	snop  }
__scs_overlays_trampoline_lowered:
0x8: {  	[smem:$0x3FAC] =	sst s0  }
0x9: {  	[smem:$0x3FAD] =	sst s1  }
0xa: {  	[smem:$0x3FAE] =	sst s2  }
0xb: {  	[smem:$0x3FAF] =	sst s3  }
0xc: {  	[smem:$0x3FB0] =	sst s4  }
0xd: {  	[smem:$0x3FB1] =	sst s5  }
0xe: {  	[smem:$0x3FB2] =	sst s6  }
0xf: {  	[smem:$0x3FB3] =	sst s7  }
0x10: {  	[smem:$0x3FB4] =	sst s8  }
0x11: {  	[smem:$0x3FB5] =	sst s9;
	s0 =	simm.s32 @!p0 $0x0  }
0x12: {  	s1 =	sld [smem:$0x3F9B];
	s0 =	simm.s32 @p0 $0x1  }
0x13: {  	[smem:$0x3FB6] =	sst s0;
	s0 =	simm.s32 @!p1 $0x0  }
0x14: {  	s2 =	sld [smem:$0x3F9A];
	s0 =	simm.s32 @p1 $0x1  }
0x15: {  	[smem:$0x3FB7] =	sst s0;
	s0 =	simm.s32 @!p2 $0x0  }
0x16: {  	s3 =	sld [smem:$0x3FDB];
	s0 =	simm.s32 @p2 $0x1  }
0x17: {  	s4 =	simm.s32 $0x1BF5;
	[smem:$0x3FB9] =	sst s0  }
0x18: {  	s0 =	sld [smem:$0x3F9C];
	_ =	swait.ge [sflag:s4], $0x0  }
0x19: {  	s7 =	sld [smem:$0x3F9D]  }
0x1a: {  	s8 =	sadd.s32 $0xFFFFE003, lr  }
0x1b: {  	s9 =	sadd.s32 $0xFFFFFEF7, lr;
	s5 =	simm.s32 $0xFFFFFFFF;
	p2 =	slt.u32 s8, $0xFFFFF086  }
0x1c: {  	p1 =	slt.u32 s9, $0xF7A;
	s5 =	simm.s32 @!p2 $0x0  }
0x1d: {  	s5 =	simm.s32 @p1 $0x1;
	p0 =	seq.s32 s7, s2  }
0x1e: {  	s7 =	smul.u32 @!p0 $0xF7A, s2;
	p2 =	seq.s32 @!p0 s5, $0x0  }
0x1f: {  	s9 =	smul.u32 $0xF7A, s1;
	s8 =	simm.s32 @!p0 $0x1BF5;
	p2 =	por !p2, p0  }
0x20: {  	[sflag:s8] =	ssyncset.s32 @!p0 $0xFFFFF086;
	s6 =	sadd.s32 @!p0 s3, s7;
	s7 =	simm.s32 @!p0 $0x108  }
0x21: {  	s3 =	sadd.s32 s3, s9;
	s6 =	sadd.s32 @!p0 $0x88, s6;
	s7 =	simm.s32 @p2 $0x1082  }
0x22: {  	[simem:s7], [sflag:s8] =	dma.local @!p0 [hbm:s6], $0xF7A  }
0x23: {  	s9 =	sor.u32 $0xD0000000, s2;
	s6 =	simm.s32 $0x108;
	_ =	swait.ge @!p0 [sflag:s8], $0x0  }
0x24: {  	s3 =	sadd.s32 $0x88, s3;
	s6 =	simm.s32 @!p1 $0x1082;
	[sflag:s4] =	ssyncset.s32 $0xFFFFF086  }
0x25: {  	[simem:s6], [sflag:s4] =	dma.local [hbm:s3], $0xF7A  }
0x26: {  	[smem:$0x3F9D] =	sst s1;
	(tag) =	ssettag s2;
	_ =	strace s9  }
0x27: {  	s1 =	sld [smem:$0x3FAD]  }
0x28: {  	s2 =	sld [smem:$0x3FAE]  }
0x29: {  	s4 =	sld [smem:$0x3FB0]  }
0x2a: {  	p0 =	seq.s32 s5, $0x0;
	s5 =	sld [smem:$0x3FB1]  }
0x2b: {  	s6 =	sld [smem:$0x3FB2]  }
0x2c: {  	s7 =	sld [smem:$0x3FB3]  }
0x2d: {  	s3 =	simm.s32 $0x108;
	s8 =	sld [smem:$0x3FB4]  }
0x2e: {  	s3 =	simm.s32 @!p0 $0x1082;
	s9 =	sld [smem:$0x3FB5]  }
0x2f: {  	lr =	sadd.s32 s0, s3;
	s0 =	sld [smem:$0x3FAC]  }
0x30: {  	s3 =	sld [smem:$0x3FAF]  }
0x31: {  	[smem:$0x3FB8] =	sst s10  }
0x32: {  	s10 =	sld [smem:$0x3FB6];
	_ =	sdelay $0x3  }
0x33: {  	p0 =	seq.s32 s10, $0x1;
	s10 =	sld [smem:$0x3FB8];
	_ =	sdelay $0x3  }
0x34: {  	[smem:$0x3FB8] =	sst s10  }
0x35: {  	s10 =	sld [smem:$0x3FB7];
	_ =	sdelay $0x3  }
0x36: {  	p1 =	seq.s32 s10, $0x1;
	s10 =	sld [smem:$0x3FB8];
	_ =	sdelay $0x3  }
0x37: {  	[smem:$0x3FB8] =	sst s10  }
0x38: {  	s10 =	sld [smem:$0x3FB9]  }
0x39: {  	_ = 	snop;
	(pc) =	sbr.ind lr, $3  }
0x3a: {  	_ = 	snop  }
0x3b: {  	_ = 	snop  }
0x3c: {  	p2 =	seq.s32 s10, $0x1;
	s10 =	sld [smem:$0x3FB8]  }
0x3d: {  	_ =	shalt  }
0x3e: {  	_ =	shalt  }
0x3f: {  	_ =	shalt  }
0x40: {  	_ =	shalt  }
0x41: {  	_ =	shalt  }
0x42: {  	_ =	shalt  }
0x43: {  	_ =	shalt  }
0x44: {  	_ =	shalt  }
0x45: {  	_ =	shalt  }
0x46: {  	_ =	shalt  }
0x47: {  	_ =	shalt  }
0x48: {  	_ =	shalt  }
0x49: {  	_ =	shalt  }
0x4a: {  	_ =	shalt  }
0x4b: {  	_ =	shalt  }
0x4c: {  	_ =	shalt  }
0x4d: {  	_ =	shalt  }
0x4e: {  	_ =	shalt  }
0x4f: {  	_ =	shalt  }
0x50: {  	_ =	shalt  }
0x51: {  	_ =	shalt  }
0x52: {  	_ =	shalt  }
0x53: {  	_ =	shalt  }
0x54: {  	_ =	shalt  }
0x55: {  	_ =	shalt  }
0x56: {  	_ =	shalt  }
0x57: {  	_ =	shalt  }
0x58: {  	_ =	shalt  }
0x59: {  	_ =	shalt  }
0x5a: {  	_ =	shalt  }
0x5b: {  	_ =	shalt  }
0x5c: {  	_ =	shalt  }
0x5d: {  	_ =	shalt  }
0x5e: {  	_ =	shalt  }
0x5f: {  	_ =	shalt  }
0x60: {  	_ =	shalt  }
0x61: {  	_ =	shalt  }
0x62: {  	_ =	shalt  }
0x63: {  	_ =	shalt  }
0x64: {  	_ =	shalt  }
0x65: {  	_ =	shalt  }
0x66: {  	_ =	shalt  }
0x67: {  	_ =	shalt  }
0x68: {  	_ =	shalt  }
0x69: {  	_ =	shalt  }
0x6a: {  	_ =	shalt  }
0x6b: {  	_ =	shalt  }
0x6c: {  	_ =	shalt  }
0x6d: {  	_ =	shalt  }
0x6e: {  	_ =	shalt  }
0x6f: {  	_ =	shalt  }
0x70: {  	_ =	shalt  }
0x71: {  	_ =	shalt  }
0x72: {  	_ =	shalt  }
0x73: {  	_ =	shalt  }
0x74: {  	_ =	shalt  }
0x75: {  	_ =	shalt  }
0x76: {  	_ =	shalt  }
0x77: {  	_ =	shalt  }
0x78: {  	_ =	shalt  }
0x79: {  	_ =	shalt  }
0x7a: {  	_ =	shalt  }
0x7b: {  	_ =	shalt  }
0x7c: {  	_ =	shalt  }
0x7d: {  	_ =	shalt  }
0x7e: {  	_ =	shalt  }
0x7f: {  	_ =	shalt  }
0x80: {  	_ =	shalt  }
0x81: {  	_ =	shalt  }
0x82: {  	_ =	shalt  }
0x83: {  	_ =	shalt  }
0x84: {  	_ =	shalt  }
0x85: {  	_ =	shalt  }
0x86: {  	_ =	shalt  }
0x87: {  	_ =	shalt  }
.Lfunc_end0:
.L_simem_size_0:
called_computation_lowered:
.L_overlay_start_0:
0x88: {  	s2 =	sld [smem:$0x3FD9]  }
0x89: {  	s3 =	sld [smem:$0x3FFE];
	_ =	sdelay $0x1  }
0x8a: {  	s1 =	srdreg.scid  }
0x8b: {  	s0 =	sand.u32 $0x1, s1  }
0x8c: {  	s17 =	sshll.u32 s0, $0xA;
	s2 =	sadd.s32 s3, s2  }
0x8d: {  	s2 =	sadd.s32 s2, s17  }
0x8e: {  	[smem:$0x3FC4] =	sst s2  }
0x8f: {  	_ = 	snop  }
0x90: {  	s2 =	sld [smem:$0x3FD0];
	(tm) =	ssettm $0x1  }
0x91: {  	s18 =	sld [smem:$0x3FFB];
	_ =	sdelay $0x3  }
0x92: {  	_ =	strace s18  }
0x93: {  	s3 =	sld [smem:$0x3FFC];
	_ =	sdelay $0x3  }
0x94: {  	_ =	strace s3  }
0x95: {  	s3 =	sld [smem:$0x3FFD];
	_ =	sdelay $0x3  }
0x96: {  	_ =	strace s3  }
0x97: {  	_ =	strace $0x8FFFFFFF  }
0x98: {  	s19 =	sld [smem:$0x3FDB];
	_ =	sdelay $0x1  }
0x99: {  	s4 =	simm.s32 $_scs_section_size  }
0x9a: {  	s5 =	simm.s32 $_size__tile_overlayer_lowered;
	s6 =	simm.s32 $_tile_overlayer_lowered  }
0x9b: {  	s22 =	simm.s32 $0x1BFF;
	s21 =	sshll.u32 s6, $0x1;
	s3 =	sadd.s32 s4, s19  }
0x9c: {  	s7 =	simm.s32 $0x0;
	s20 =	sshll.u32 s5, $0x1;
	s5 =	sadd.s32 s21, s3  }
0x9d: {  	[timem:s7], [sflag:s22] =	dma.local [hbm:s5], s20  }
0x9e: {  	_ =	swait.ge [sflag:s22], s20  }
0x9f: {  	s4 =	ssub.s32 $0x0, s20;
	[sflag:s22] =	ssyncset.done $0x0  }
0xa0: {  	[sflag:s22] =	ssyncadd.s32 s4;
	_ =	sdelay $0x1  }
0xa1: {  	s23 =	simm.s32 $0x1B8B  }
0xa2: {  	_ =	swait.ge [sflag:s23], $0x1  }
0xa3: {  	[sflag:s23] =	ssyncset.done $0x0  }
0xa4: {  	s25 =	simm.s32 $0x1B8E;
	s24 =	sld [smem:$0x3FFE];
	[sflag:s23] =	ssyncadd.s32 $0xFFFFFFFF  }
0xa5: {  	s26 =	simm.s32 $execute0_lowered;
	[smem:$0x3FD2] =	sst s25  }
0xa6: {  	s5 =	sshll.u32 s26, $0x1;
	_ =	strace $0x80000046;
	[dreg:$0x1] =	wrdreg $0xFFFFFFFF  }
0xa7: {  	s28 =	simm.s32 $_size_execute0_lowered;
	s3 =	sadd.s32 s3, s5;
	[dreg:$0x0] =	wrdreg $0x0  }
0xa8: {  	s5 =	sshll.u32 s28, $0x1;
	[dreg:$0x2] =	wrdreg s3  }
0xa9: {  	[dreg:$0x3] =	wrdreg s5  }
0xaa: {  	[dreg:$0x4] =	wrdreg $0xC0  }
0xab: {  	_ =	task [dreg:s7], $0x5FFFF  }
0xac: {  	[dreg:$0x1] =	wrdreg $0xFFFFFFFF  }
0xad: {  	[dreg:$0x0] =	wrdreg $0x60  }
0xae: {  	[dreg:$0x2] =	wrdreg s24  }
0xaf: {  	[dreg:$0x3] =	wrdreg s2  }
0xb0: {  	[dreg:$0x4] =	wrdreg $0x9  }
0xb1: {  	_ =	task.clear_ibuf [dreg:s7], $0x5FFFF;
	_ =	strace $0x90000046  }
0xb2: {  	s29 =	simm.s32 $0x9;
	_ =	strace $0x80000048  }
0xb3: {  	_ =	swait.ge [sflag:s29], $0x1  }
0xb4: {  	[sflag:s29] =	ssyncadd.s32 $0xFFFFFFFF  }
0xb5: {  	_ =	strace $0x90000048  }
0xb6: {  	_ =	sfence  }
0xb7: {  	s30 =	sld [smem:$0x0];
	_ =	sdelay $0x2  }
0xb8: {  	s31 =	sshll.u32 s1, $0xD;
	s1 =	sshrl.u32 s1, $0x2  }
0xb9: {  	s3 =	sand.u32 $0x4000, s31;
	s1 =	sadd.s32 s1, s30  }
0xba: {  	s0 =	sor.u32 s3, s0;
	s1 =	sshll.u32 s1, $0x11  }
0xbb: {  	s0 =	sor.u32 s1, s0  }
0xbc: {  	s0 =	sadd.s32 $0x8F2B, s0  }
0xbd: {  	[sflag:s0] =	ssyncadd.remote.s32 $0x1  }
0xbe: {  	_ =	sfence.sel $0xFFFF  }
0xbf: {  	[dreg:$0x0] =	wrdreg $0xFFFFFFFF;
	(pc) =	sbr.abs _section_cstart, $3  }
0xc0: {  	[dreg:$0x1] =	wrdreg $0xFFFFFFFF  }
0xc1: {  	_ =	task.clear_ibuf [dreg:s7], $0x2FFFF;
	_ =	strace $0x9FFFFFFF  }
0xc2: {  	(tm) =	ssettm $0x7FFFFFFF  }
0xc3: {  	_ =	shalt  }
tec
execute0_lowered:
.L_overlay_start_1:
0x0: {  	(tag) =	ssettag $0x1  }
0x1: {  	s0 =	rddreg [dreg:$0x0]  }
0x2: {  	s7 =	rddreg [dreg:$0x1]  }
0x3: {  	s1 =	stileid.u32;
	s2 =	simm.s32 $0x0;
	s3 =	srdreg.scid  }
0x4: {  	s14 =	simm.s32 $0x1;
	s16 =	simm.s32 $0x9000;
	s17 =	simm.s32 $0xA000  }
0x5: {  	s18 =	simm.s32 $0xB000;
	s19 =	simm.s32 $0xB400;
	s20 =	simm.s32 $0xB800  }
0x6: {  	s21 =	simm.s32 $0x0;
	s4 =	sshll.u32 s1, $0x1;
	[smem:$0x7FF] =	sst s2  }
0x7: {  	s3 =	sand.u32 $0x1, s3;
	s5 =	sshrl.u32 s1, $0x1;
	s4 =	sand.u32 $0x2, s4  }
0x8: {  	_ =	strace $0x80000047;
	s9 =	smul.u32 $0x3000, s5;
	s4 =	sor.u32 s3, s4  }
0x9: {  	s29 =	sshll.u32 s5, $0xD;
	s3 =	ssub.s32 $0x2, s3;
	s8 =	sshll.u32 s4, $0xA  }
0xa: {  	s6 =	sshrl.u32 s3, $0x1;
	s10 =	sadd.s32 $0x1000, s9;
	s5 =	sshrl.u32 s9, $0x3  }
0xb: {  	s12 =	sadd.s32 $0x2000, s9;
	s4 =	sor.u32 s29, s8;
	s11 =	ssub.s32 s3, s6  }
0xc: {  	s30 =	sshrl.u32 s10, $0x3;
	s5 =	sadd.s32 s7, s5;
	s13 =	sshrl.u32 s12, $0x3  }
0xd: {  	s9 =	sor.u32 s9, s8;
	s10 =	sor.u32 s10, s8;
	s12 =	sor.u32 s12, s8  }
0xe: {  	s4 =	sadd.s32 s4, s0;
	s0 =	sadd.s32 $0x21400, s0;
	s6 =	sadd.s32 s7, s30  }
0xf: {  	s7 =	sadd.s32 s7, s13;
	s9 =	sshrl.u32 s9, $0x3;
	s10 =	sshrl.u32 s10, $0x3  }
0x10: {  	s31 =	sshrl.u32 s12, $0x3;
	s11 =	smax.u32 s11, $0x1;
	s12 =	simm.s32 $0x2000  }
0x11: {  	s13 =	simm.s32 $0x8000;
	s3 =	sadd.s32 $0x11400, s4;
	s4 =	sadd.s32 $0x1400, s4  }
0x12: {  	s8 =	sadd.s32 s0, s9;
	s9 =	sadd.s32 s0, s10;
	s10 =	sadd.s32 s0, s31  }
.LBB2_1:
0x13: {  	[tilespmem:s2], [sflag:$0x1] =	stream.strided.gather [hbm4b:s3+s12], $0x4000, s13, s12, $0x38;
	[tilespmem:$0xBC00] =	vst v63  }
0x14: {  	_ =	swait.ge [sflag:s14], $0x4000  }
0x15: {  	[sflag:s14] =	ssyncset.done $0x0  }
0x16: {  	s0 =	simm.s32 $0x4000;
	[sflag:s14] =	ssyncadd.s32 $0xFFFFC000  }
0x17: {  	[tilespmem:s0], [sflag:$0x1] =	stream.strided.gather [hbm4b:s4+s12], $0x4000, s13, s12, $0x38;
	[tilespmem:$0xBC00] =	vst v63  }
0x18: {  	_ =	swait.ge [sflag:s14], $0x4000  }
0x19: {  	[sflag:s14] =	ssyncset.done $0x0  }
0x1a: {  	[sflag:s14] =	ssyncadd.s32 $0xFFFFC000  }
0x1b: {  	[tilespmem:s13], [sflag:$0x1] =	stream.linear.gather [hbm4b:s5+s2], $0x1000, $0x38;
	[tilespmem:$0xBC00] =	vst v63  }
0x1c: {  	_ =	swait.ge [sflag:s14], $0x1000  }
0x1d: {  	[sflag:s14] =	ssyncset.done $0x0  }
0x1e: {  	[sflag:s14] =	ssyncadd.s32 $0xFFFFF000  }
0x1f: {  	[tilespmem:s16], [sflag:$0x1] =	stream.linear.gather [hbm4b:s6+s2], $0x1000, $0x38;
	[tilespmem:$0xBC00] =	vst v63  }
0x20: {  	_ =	swait.ge [sflag:s14], $0x1000  }
0x21: {  	[sflag:s14] =	ssyncset.done $0x0  }
0x22: {  	[sflag:s14] =	ssyncadd.s32 $0xFFFFF000  }
0x23: {  	[tilespmem:s17], [sflag:$0x1] =	stream.linear.gather [hbm4b:s7+s2], $0x1000, $0x38;
	[tilespmem:$0xBC00] =	vst v63  }
0x24: {  	_ =	swait.ge [sflag:s14], $0x1000  }
0x25: {  	s25 =	sand.u32 $0x70, s2;
	s22 =	sand.u32 $0x1C00, s2;
	[sflag:s14] =	ssyncset.done $0x0  }
0x26: {  	s25 =	sor.u32 s25, s22;
	[sflag:s14] =	ssyncadd.s32 $0xFFFFF000  }
0x27: {  	v1 =	vld [tilespmem:s25+$0x6080]  }
0x28: {  	s26 =	sor.u32 s2, s2;
	v0 =	vld [tilespmem:s25+$0x2000]  }
0x29: {  	s0 =	sor.u32 $0x380, s26;
	v13 =	vld [tilespmem:s25+$0x80]  }
0x2a: {  	v5 =	vld [tilespmem:s0+$0x4000]  }
0x2b: {  	v6 =	vld [tilespmem:s25+$0x6000]  }
0x2c: {  	v11 =	vld [tilespmem:s25+$0x100]  }
0x2d: {  	v4 =	vld [tilespmem:s25+$0x280]  }
0x2e: {  	v2 =	vld [tilespmem:s25+$0x300]  }
0x2f: {  	v7 =	vld [tilespmem:s25+$0x180]  }
0x30: {  	v16 =	vld [tilespmem:s25+$0x0]  }
0x31: {  	v8 =	vld [tilespmem:s25+$0x4000]  }
0x32: {  	v12 =	vld [tilespmem:s25+$0x4280]  }
0x33: {  	v10 =	vld [tilespmem:s25+$0x4300]  }
0x34: {  	v19 =	vld [tilespmem:s25+$0x4080]  }
0x35: {  	v21 =	vld [tilespmem:s25+$0x4100]  }
0x36: {  	v9 =	vld [tilespmem:s25+$0x200]  }
0x37: {  	v18 =	vld [tilespmem:s25+$0x4180]  }
0x38: {  	v3 =	vld [tilespmem:s0+$0x0]  }
0x39: {  	v22 =	vld [tilespmem:s25+$0x4200]  }
0x3a: {  	v17 =	vld.idx.msk [tilespmem:v8+s16+$0x0], $0xffff  }
0x3b: {  	v14 =	vld.idx.msk [tilespmem:v12+s17+$0x0], $0xffff  }
0x3c: {  	v20 =	vld.idx.msk [tilespmem:v19+s17+$0x0], $0xffff  }
0x3d: {  	v25 =	vld.idx.msk [tilespmem:v10+s17+$0x0], $0xffff  }
0x3e: {  	v27 =	vld.idx.msk [tilespmem:v21+s17+$0x0], $0xffff  }
0x3f: {  	v28 =	vld.idx.msk [tilespmem:v8+s17+$0x0], $0xffff  }
0x40: {  	v29 =	vld.idx.msk [tilespmem:v19+s13+$0x0], $0xffff  }
0x41: {  	v30 =	vld.idx.msk [tilespmem:v8+s13+$0x0], $0xffff  }
0x42: {  	v31 =	vld.idx.msk [tilespmem:v21+s16+$0x0], $0xffff  }
0x43: {  	v15 =	vld.idx.msk [tilespmem:v22+s16+$0x0], $0xffff  }
0x44: {  	v24 =	vld.idx.msk [tilespmem:v22+s13+$0x0], $0xffff  }
0x45: {  	v26 =	vld.idx.msk [tilespmem:v19+s16+$0x0], $0xffff;
	v23 =	vmul.f32 v20, v13  }
0x46: {  	s28 =	simm.s32 $0xB810;
	s29 =	simm.s32 $0x0;
	v19 =	vld.idx.msk [tilespmem:v18+s16+$0x0], $0xffff;
	v8 =	vmul.f32 v25, v2;
	v28 =	vmul.f32 v28, v16  }
0x47: {  	s30 =	simm.s32 $0xB000;
	s31 =	simm.s32 $0xB400;
	s23 =	simm.s32 $0xB400;
	v22 =	vld.idx.msk [tilespmem:v22+s17+$0x0], $0xffff;
	v20 =	vmul.f32 v27, v11;
	v25 =	vmul.f32 v29, v13  }
0x48: {  	s24 =	simm.s32 $0xB800;
	s22 =	simm.s32 $0xB000;
	s26 =	simm.s32 $0x10;
	v29 =	vmul.f32 v30, v16;
	v27 =	vld.idx.msk [tilespmem:v21+s13+$0x0], $0xffff;
	v21 =	vmul.f32 v31, v11;
	v28 =	vadd.f32 $0.0e+00, v28  }
.LBB2_2:
0x49: {  	v30 =	vld.idx.msk [tilespmem:v18+s13+$0x0], $0xffff;
	s29 =	sadd.s32 $0x80, s29;
	s30 =	sadd.s32 $0x10, s30;
	s31 =	sadd.s32 $0x10, s31  }
0x4a: {  	p0 =	sne.s32 s26, $0x3F0;
	v23 =	vadd.f32 v23, v28;
	v24 =	vmul.f32 v24, v9;
	s0 =	smov.u32 s26;
	s26 =	sadd.s32 $0x10, s26;
	v18 =	vld.idx.msk [tilespmem:v18+s17+$0x0], $0xffff  }
0x4b: {  	v28 =	vadd.f32 $0.0e+00, v29;
	v13 =	vmul.f32 v26, v13;
	v26 =	vld.idx.msk [tilespmem:v6+s13+$0x0], $0xffff  }
0x4c: {  	v16 =	vmul.f32 v17, v16;
	v17 =	vadd.f32 v20, v23;
	v20 =	vld.idx.msk [tilespmem:v6+s16+$0x0], $0xffff  }
0x4d: {  	v23 =	vadd.f32 v25, v28;
	v25 =	vld.idx.msk [tilespmem:v12+s13+$0x0], $0xffff  }
0x4e: {  	v16 =	vadd.f32 $0.0e+00, v16;
	v22 =	vmul.f32 v22, v9;
	v11 =	vmul.f32 v27, v11;
	v27 =	vld.idx.msk [tilespmem:v10+s13+$0x0], $0xffff  }
0x4f: {  	v28 =	vmul.f32 v30, v7;
	v29 =	vld.idx.msk [tilespmem:v5+s17+$0x0], $0xffff  }
0x50: {  	v14 =	vmul.f32 v14, v4;
	v13 =	vadd.f32 v13, v16;
	v16 =	vmul.f32 v19, v7;
	v12 =	vld.idx.msk [tilespmem:v12+s16+$0x0], $0xffff  }
0x51: {  	v11 =	vadd.f32 v11, v23;
	v7 =	vmul.f32 v18, v7;
	v19 =	vmul.f32 v26, v0;
	v18 =	vld.idx.msk [tilespmem:v5+s13+$0x0], $0xffff  }
0x52: {  	v13 =	vadd.f32 v21, v13;
	v20 =	vmul.f32 v20, v0;
	v10 =	vld.idx.msk [tilespmem:v10+s16+$0x0], $0xffff  }
0x53: {  	v11 =	vadd.f32 v28, v11;
	v7 =	vadd.f32 v7, v17;
	v17 =	vmul.f32 v25, v4;
	v6 =	vld.idx.msk [tilespmem:v6+s17+$0x0], $0xffff  }
0x54: {  	v9 =	vmul.f32 v15, v9;
	v13 =	vadd.f32 v16, v13;
	v15 =	vmul.f32 v27, v2;
	v5 =	vld.idx.msk [tilespmem:v5+s16+$0x0], $0xffff  }
0x55: {  	v11 =	vadd.f32 v24, v11;
	v7 =	vadd.f32 v22, v7  }
0x56: {  	v9 =	vadd.f32 v9, v13;
	v4 =	vmul.f32 v12, v4;
	v12 =	vmul.f32 v29, v3;
	v13 =	vld [tilespmem:s25+$0x2080]  }
0x57: {  	v11 =	vadd.f32 v17, v11;
	v7 =	vadd.f32 v14, v7;
	v14 =	vmul.f32 v18, v3;
	v16 =	vld.idx.msk [tilespmem:v1+s13+$0x0], $0xffff  }
0x58: {  	v4 =	vadd.f32 v4, v9;
	v2 =	vmul.f32 v10, v2;
	v9 =	vld.idx.msk [tilespmem:v1+s16+$0x0], $0xffff  }
0x59: {  	v10 =	vadd.f32 v15, v11;
	v7 =	vadd.f32 v8, v7;
	v0 =	vmul.f32 v6, v0;
	v1 =	vld.idx.msk [tilespmem:v1+s17+$0x0], $0xffff  }
0x5a: {  	v2 =	vadd.f32 v2, v4;
	v3 =	vmul.f32 v5, v3  }
0x5b: {  	v4 =	vadd.f32 v14, v10;
	v5 =	vadd.f32 v12, v7  }
0x5c: {  	v2 =	vadd.f32 v3, v2  }
0x5d: {  	s25 =	sor.u32 s29, s0;
	v3 =	vadd.f32 v19, v4;
	v0 =	vadd.f32 v0, v5;
	v4 =	vmul.f32 v16, v13  }
0x5e: {  	s1 =	sand.u32 $0x1C00, s29;
	s0 =	sand.u32 $0x70, s0;
	s15 =	sor.u32 $0x380, s25;
	v2 =	vadd.f32 v20, v2;
	v5 =	vmul.f32 v9, v13  }
0x5f: {  	s25 =	sor.u32 s0, s1;
	v3 =	vadd.f32 v4, v3;
	v1 =	vmul.f32 v1, v13  }
0x60: {  	v2 =	vadd.f32 v5, v2  }
0x61: {  	v0 =	vadd.f32 v1, v0;
	[tilespmem:s22+$0x0] =	vst v3;
	s22 =	smov.u32 s30  }
0x62: {  	[tilespmem:s23+$0x0] =	vst v2;
	s23 =	smov.u32 s31  }
0x63: {  	[tilespmem:s24+$0x0] =	vst v0;
	s24 =	smov.u32 s28  }
0x64: {  	v1 =	vld [tilespmem:s25+$0x6080]  }
0x65: {  	v0 =	vld [tilespmem:s25+$0x2000]  }
0x66: {  	v13 =	vld [tilespmem:s25+$0x80]  }
0x67: {  	v5 =	vld [tilespmem:s15+$0x4000]  }
0x68: {  	v6 =	vld [tilespmem:s25+$0x6000]  }
0x69: {  	v11 =	vld [tilespmem:s25+$0x100]  }
0x6a: {  	v4 =	vld [tilespmem:s25+$0x280]  }
0x6b: {  	v2 =	vld [tilespmem:s25+$0x300]  }
0x6c: {  	v7 =	vld [tilespmem:s25+$0x180]  }
0x6d: {  	v16 =	vld [tilespmem:s25+$0x0]  }
0x6e: {  	v8 =	vld [tilespmem:s25+$0x4000]  }
0x6f: {  	v12 =	vld [tilespmem:s25+$0x4280]  }
0x70: {  	v10 =	vld [tilespmem:s25+$0x4300]  }
0x71: {  	v19 =	vld [tilespmem:s25+$0x4080]  }
0x72: {  	v21 =	vld [tilespmem:s25+$0x4100]  }
0x73: {  	v9 =	vld [tilespmem:s25+$0x200]  }
0x74: {  	v18 =	vld [tilespmem:s25+$0x4180]  }
0x75: {  	v3 =	vld [tilespmem:s15+$0x0]  }
0x76: {  	v17 =	vld.idx.msk [tilespmem:v8+s16+$0x0], $0xffff  }
0x77: {  	v14 =	vld.idx.msk [tilespmem:v12+s17+$0x0], $0xffff  }
0x78: {  	v22 =	vld [tilespmem:s25+$0x4200]  }
0x79: {  	v15 =	vld.idx.msk [tilespmem:v19+s17+$0x0], $0xffff  }
0x7a: {  	v20 =	vld.idx.msk [tilespmem:v10+s17+$0x0], $0xffff  }
0x7b: {  	v24 =	vld.idx.msk [tilespmem:v21+s17+$0x0], $0xffff  }
0x7c: {  	v25 =	vld.idx.msk [tilespmem:v8+s17+$0x0], $0xffff  }
0x7d: {  	v27 =	vld.idx.msk [tilespmem:v19+s13+$0x0], $0xffff  }
0x7e: {  	v28 =	vld.idx.msk [tilespmem:v8+s13+$0x0], $0xffff  }
0x7f: {  	v23 =	vmul.f32 v15, v13;
	v30 =	vld.idx.msk [tilespmem:v21+s16+$0x0], $0xffff  }
0x80: {  	v8 =	vmul.f32 v20, v2;
	v15 =	vld.idx.msk [tilespmem:v22+s16+$0x0], $0xffff  }
.Ltmp0:
0x81: {  	v20 =	vmul.f32 v24, v11;
	v24 =	vld.idx.msk [tilespmem:v22+s13+$0x0], $0xffff;
	(pc) =	sbr.rel @p0 .LBB2_2-.Ltmp0, $4  }
0x82: {  	v31 =	vmul.f32 v25, v16;
	v26 =	vld.idx.msk [tilespmem:v19+s16+$0x0], $0xffff  }
0x83: {  	v25 =	vmul.f32 v27, v13;
	v19 =	vld.idx.msk [tilespmem:v18+s16+$0x0], $0xffff  }
0x84: {  	v29 =	vmul.f32 v28, v16;
	v28 =	vadd.f32 $0.0e+00, v31;
	v22 =	vld.idx.msk [tilespmem:v22+s17+$0x0], $0xffff  }
0x85: {  	s28 =	sadd.s32 $0x10, s28;
	v27 =	vld.idx.msk [tilespmem:v21+s13+$0x0], $0xffff;
	v21 =	vmul.f32 v30, v11  }
0x86: {  	_ =	sdelay $0x3  }
0x87: {  	v30 =	vld.idx.msk [tilespmem:v18+s13+$0x0], $0xffff  }
0x88: {  	v59 =	vld.idx.msk [tilespmem:v18+s17+$0x0], $0xffff;
	v16 =	vmul.f32 v17, v16  }
0x89: {  	v60 =	vadd.f32 $0.0e+00, v29;
	v61 =	vld.idx.msk [tilespmem:v6+s13+$0x0], $0xffff  }
0x8a: {  	v62 =	vld.idx.msk [tilespmem:v6+s16+$0x0], $0xffff;
	v13 =	vmul.f32 v26, v13;
	v16 =	vadd.f32 $0.0e+00, v16  }
0x8b: {  	v63 =	vld.idx.msk [tilespmem:v12+s13+$0x0], $0xffff;
	v17 =	vadd.f32 v25, v60;
	v11 =	vmul.f32 v27, v11  }
0x8c: {  	v31 =	vld.idx.msk [tilespmem:v10+s13+$0x0], $0xffff;
	v13 =	vadd.f32 v13, v16  }
0x8d: {  	v32 =	vadd.f32 v23, v28;
	v34 =	vld.idx.msk [tilespmem:v12+s16+$0x0], $0xffff;
	v33 =	vmul.f32 v30, v7;
	v11 =	vadd.f32 v11, v17  }
0x8e: {  	v35 =	vmul.f32 v24, v9;
	v36 =	vld.idx.msk [tilespmem:v5+s17+$0x0], $0xffff;
	v19 =	vmul.f32 v19, v7;
	v13 =	vadd.f32 v21, v13  }
0x8f: {  	v38 =	vld.idx.msk [tilespmem:v10+s16+$0x0], $0xffff;
	v16 =	vadd.f32 v20, v32;
	v37 =	vmul.f32 v59, v7;
	v11 =	vadd.f32 v33, v11  }
0x90: {  	v40 =	vld.idx.msk [tilespmem:v5+s13+$0x0], $0xffff;
	v41 =	vmul.f32 v15, v9;
	v39 =	vmul.f32 v22, v9;
	v13 =	vadd.f32 v19, v13  }
0x91: {  	v43 =	vld.idx.msk [tilespmem:v5+s16+$0x0], $0xffff;
	v42 =	vmul.f32 v63, v4;
	v7 =	vadd.f32 v37, v16;
	v11 =	vadd.f32 v35, v11  }
0x92: {  	v14 =	vmul.f32 v14, v4;
	v44 =	vld.idx.msk [tilespmem:v6+s17+$0x0], $0xffff;
	v45 =	vmul.f32 v34, v4;
	v9 =	vadd.f32 v41, v13  }
0x93: {  	v47 =	vld [tilespmem:s25+$0x2080];
	v46 =	vmul.f32 v31, v2;
	v7 =	vadd.f32 v39, v7;
	v11 =	vadd.f32 v42, v11  }
0x94: {  	v48 =	vld.idx.msk [tilespmem:v1+s13+$0x0], $0xffff;
	v49 =	vmul.f32 v38, v2;
	v4 =	vadd.f32 v45, v9  }
0x95: {  	v51 =	vld.idx.msk [tilespmem:v1+s16+$0x0], $0xffff;
	v50 =	vmul.f32 v40, v3;
	v7 =	vadd.f32 v14, v7;
	v11 =	vadd.f32 v46, v11  }
0x96: {  	v53 =	vld.idx.msk [tilespmem:v1+s17+$0x0], $0xffff;
	v52 =	vmul.f32 v61, v0;
	v54 =	vmul.f32 v43, v3;
	v2 =	vadd.f32 v49, v4  }
0x97: {  	v55 =	vmul.f32 v36, v3;
	v56 =	vadd.f32 v8, v7;
	v57 =	vadd.f32 v50, v11  }
0x98: {  	v58 =	vmul.f32 v62, v0;
	v59 =	vmul.f32 v44, v0;
	v2 =	vadd.f32 v54, v2  }
0x99: {  	v61 =	vmul.f32 v48, v47;
	v3 =	vadd.f32 v55, v56;
	v60 =	vadd.f32 v52, v57  }
0x9a: {  	v62 =	vmul.f32 v51, v47;
	v2 =	vadd.f32 v58, v2  }
0x9b: {  	v1 =	vmul.f32 v53, v47;
	v0 =	vadd.f32 v59, v3;
	v63 =	vadd.f32 v61, v60  }
0x9c: {  	v2 =	vadd.f32 v62, v2  }
0x9d: {  	v0 =	vadd.f32 v1, v0;
	[tilespmem:s22+$0x0] =	vst v63  }
0x9e: {  	[tilespmem:s23+$0x0] =	vst v2  }
0x9f: {  	[tilespmem:s24+$0x0] =	vst v0  }
0xa0: {  	[hbm4b:s8+s2] =	stream.linear.scatter [tilespmem:s18], [sflag:$0x1], $0x400, $0x38;
	[tilespmem:$0xBC00] =	vst v63  }
0xa1: {  	_ =	swait.ge [sflag:s14], $0x400  }
0xa2: {  	[sflag:s14] =	ssyncset.done $0x0  }
0xa3: {  	[sflag:s14] =	ssyncadd.s32 $0xFFFFFC00  }
0xa4: {  	[hbm4b:s9+s2] =	stream.linear.scatter [tilespmem:s19], [sflag:$0x1], $0x400, $0x38;
	[tilespmem:$0xBC00] =	vst v63  }
0xa5: {  	s21 =	sadd.s32 $0x1, s21;
	_ =	swait.ge [sflag:s14], $0x400  }
0xa6: {  	p0 =	sne.s32 s21, s11;
	[sflag:s14] =	ssyncset.done $0x0  }
.Ltmp1:
0xa7: {  	[sflag:s14] =	ssyncadd.s32 $0xFFFFFC00;
	(pc) =	sbr.rel @p0 .LBB2_1-.Ltmp1, $4  }
0xa8: {  	[hbm4b:s10+s2] =	stream.linear.scatter [tilespmem:s20], [sflag:$0x1], $0x400, $0x38;
	[tilespmem:$0xBC00] =	vst v63  }
0xa9: {  	_ =	swait.ge [sflag:s14], $0x400  }
0xaa: {  	[sflag:s14] =	ssyncset.done $0x0  }
0xab: {  	[sflag:s14] =	ssyncadd.s32 $0xFFFFFC00  }
0xac: {  	_ =	sfence.sel $0x180000  }
0xad: {  	[bflag:$0x0] =	sbarrier.arrive $0xFFFF  }
0xae: {  	_ =	strace $0x90000047  }
0xaf: {  	s0 =	stileid.u32;
	[bflag:$0x2] =	sbarrier.arrive $0xFFFF  }
0xb0: {  	p0 =	sne.s32 s0, $0x0;
	s0 =	rddreg [dreg:$0x2]  }
0xb1: {  	s0 =	sadd.s32 @!p0 $0x100000, s0  }
0xb2: {  	[sflag:s0] =	ssyncadd.tile.s32 @!p0 $0x1;
	_ =	shalt  }
.Lfunc_end2:
_tile_overlayer_lowered:
.L_overlay_start_2:
0xb3: {  	(tag) =	ssettag $0x2  }
0xb4: {  	s0 =	rddreg [dreg:$0x0];
	s2 =	stileid.u32  }
0xb5: {  	s1 =	rddreg [dreg:$0x1];
	p0 =	sne.s32 s2, $0x0  }
0xb6: {  	s3 =	rddreg [dreg:$0x2];
	[bflag:$0x3] =	sbarrier.arrive $0xFFFF;
	s2 =	simm.s32 @!p0 $0x1C01  }
0xb7: {  	[timem:s3], [sflag:s2] =	dma.local @!p0 [hbm:s0], s1  }
0xb8: {  	s0 =	simm.s32 @!p0 $0x1  }
0xb9: {  	_ =	swait.ge @!p0 [sflag:s0], s1  }
0xba: {  	s1 =	ssub.s32 @!p0 $0x0, s1;
	[sflag:s0] =	ssyncset.done @!p0 $0x0  }
0xbb: {  	[sflag:s0] =	ssyncadd.s32 @!p0 s1  }
0xbc: {  	[bflag:$0x3] =	sbarrier.arrive $0xFFFF  }
0xbd: {  	_ =	shalt  }

</sc_bundles>
